<compile_context>
chip_gen: v7x
topology: tpu7x:2x2x1
jax: 0.10.2.dev20260603
libtpu: 0.0.44.dev20260713+nightly
codegen_flags: <defaults>
</compile_context>

<pallas_src>
import functools

import jax
import jax.numpy as jnp
from jax import lax
from jax.experimental import pallas as pl
from jax.experimental.pallas import tpu as pltpu
from jax.experimental.pallas import tpu_sc as plsc

NTIME, NBATCH, K = 100, 1024, 128
NPAD = 128
NC, NS = 2, 16
NW = NC * NS
CW = NBATCH // NW
LANES = 16


def _interp_body(times_hbm, values_hbm, t_hbm, out_hbm,
                 times_v, values_v, slopes_v, t_v, out_v,
                 sem_t, sem_v, sem_q):
    wid = lax.axis_index("s") * NC + lax.axis_index("c")
    c0 = wid * CW
    cp_t = pltpu.async_copy(
        times_hbm.at[:, pl.ds(c0, CW)], times_v.at[pl.ds(0, NTIME), :], sem_t)
    cp_v = pltpu.async_copy(values_hbm.at[:, pl.ds(c0, CW)], values_v, sem_v)
    cp_q = pltpu.async_copy(t_hbm.at[:, pl.ds(c0, CW)], t_v, sem_q)

    inf16 = jnp.full((LANES,), jnp.inf, jnp.float32)
    for r in range(NTIME, NPAD):
        for g in range(CW // LANES):
            times_v[r, pl.ds(g * LANES, LANES)] = inf16
    cp_t.wait()
    cp_v.wait()

    @plsc.parallel_loop(0, NTIME - 1, step=1, unroll=4)
    def slope_body(i):
        for g in range(CW // LANES):
            v0 = values_v[i, pl.ds(g * LANES, LANES)]
            v1 = values_v[i + 1, pl.ds(g * LANES, LANES)]
            t0 = times_v[i, pl.ds(g * LANES, LANES)]
            t1 = times_v[i + 1, pl.ds(g * LANES, LANES)]
            slopes_v[i, pl.ds(g * LANES, LANES)] = (v1 - v0) / (t1 - t0)

    cp_q.wait()

    NG = CW // LANES
    pre = []
    for g in range(NG):
        sl = pl.ds(g * LANES, LANES)
        pre.append((
            tuple(times_v[r, sl] for r in (63, 31, 95, 15, 47, 79, 111)),
            tuple(times_v[r, sl] for r in (7, 23, 39, 55, 71, 87, 103, 119)),
        ))

    @plsc.parallel_loop(0, K, step=1, unroll=2)
    def query_body(k):
        for g in range(NG):
            coff = lax.iota(jnp.int32, LANES) + (g * LANES)
            (t63, t31, t95, t15, t47, t79, t111), s4 = pre[g]
            tq = t_v[k, pl.ds(g * LANES, LANES)]
            b64 = t63 <= tq
            pos = jnp.where(b64, 64, 0)
            b32 = jnp.where(b64, t95, t31) <= tq
            pos = jnp.where(b32, pos + 32, pos)
            m3 = jnp.where(b32,
                           jnp.where(b64, t111, t47),
                           jnp.where(b64, t79, t15))
            b16 = m3 <= tq
            pos = jnp.where(b16, pos + 16, pos)
            m4 = jnp.where(b16,
                           jnp.where(b32,
                                     jnp.where(b64, s4[7], s4[3]),
                                     jnp.where(b64, s4[5], s4[1])),
                           jnp.where(b32,
                                     jnp.where(b64, s4[6], s4[2]),
                                     jnp.where(b64, s4[4], s4[0])))
            pos = jnp.where(m4 <= tq, pos + 8, pos)
            for w in (4, 2, 1):
                gk = plsc.load_gather(times_v, [pos + (w - 1), coff])
                pos = jnp.where(gk <= tq, pos + w, pos)
            is0 = (pos == 0) | (pos == NTIME)
            iv = jnp.where(is0, NTIME - 1, pos - 1)
            isl = jnp.where(is0, NTIME - 2, pos - 1)
            gv = plsc.load_gather(values_v, [iv, coff])
            gt = plsc.load_gather(times_v, [iv, coff])
            gs = plsc.load_gather(slopes_v, [isl, coff])
            out_v[k, pl.ds(g * LANES, LANES)] = gv + gs * (tq - gt)
    pltpu.sync_copy(out_v, out_hbm.at[:, pl.ds(c0, CW)])


@jax.jit
def _run(times, values, t):
    mesh = plsc.VectorSubcoreMesh(core_axis_name="c", subcore_axis_name="s")
    f = functools.partial(
        pl.kernel,
        mesh=mesh,
        compiler_params=pltpu.CompilerParams(
            needs_layout_passes=False, use_tc_tiling_on_sc=False,
            skip_device_barrier=True),
        out_type=jax.ShapeDtypeStruct((K, NBATCH), jnp.float32),
        scratch_types=[
            pltpu.VMEM((NPAD, CW), jnp.float32),
            pltpu.VMEM((NTIME, CW), jnp.float32),
            pltpu.VMEM((NTIME - 1, CW), jnp.float32),
            pltpu.VMEM((K, CW), jnp.float32),
            pltpu.VMEM((K, CW), jnp.float32),
            pltpu.SemaphoreType.DMA,
            pltpu.SemaphoreType.DMA,
            pltpu.SemaphoreType.DMA,
        ],
    )(_interp_body)
    return f(times, values, t)


def kernel(times, values, t):
    return _run(times, values, t)

# --- scband reference (transcript-rebuilt; emitter-appended) ---
"""Pipeline reference for scband-arbitrary-batch-time-series-interpolator-1322849927844 (READ-ONLY COPY).

The authoritative reference and input builder live on the scoring server;
editing this copy changes nothing except your own understanding.
"""

import jax, jax.numpy as jnp
import numpy as np

NTIME, NBATCH, K = 100, 1024, 128

def setup_inputs(seed: int = 0):
    key = jax.random.key(seed)
    k1, k2, k3 = jax.random.split(key, 3)
    times = jnp.sort(jax.random.uniform(k1, (NTIME, NBATCH), dtype=jnp.float32), axis=0)
    values = jax.random.normal(k2, (NTIME, NBATCH), dtype=jnp.float32)
    t = jax.random.uniform(k3, (K, NBATCH), dtype=jnp.float32)
    return {"times": times, "values": values, "t": t}

def reference(times, values, t):
    ntime = times.shape[0]
    tp = t.T  # (nbatch, K)
    tgt = values.shape + tp.shape[1:]  # (ntime, nbatch, K)
    nexp = len(tgt) - 2
    tt = jnp.broadcast_to(times[(...,) + (None,) * nexp], tgt).reshape(ntime, -1)
    vv = jnp.broadcast_to(values[(...,) + (None,) * nexp], tgt).reshape(ntime, -1)
    slopes = jnp.diff(vv, axis=0) / jnp.diff(tt, axis=0)  # (ntime-1, N)
    tpf = tp.reshape(-1)  # (N,)
    # histogram-style bin assignment: count knots <= query, wrap with remainder
    gi = jnp.remainder(jnp.sum((tt - tpf[None, :]) <= 0, axis=0), ntime)
    cols = jnp.arange(tpf.shape[0])
    # torch negative indexing (gi-1 == -1 wraps to last row) -> explicit modulo per array length
    iv = jnp.remainder(gi - 1, ntime)
    isl = jnp.remainder(gi - 1, ntime - 1)
    # torch.diagonal(v[gi-1]) == v[gi-1, arange(N)] (same math, avoids NxN blowup)
    out = vv[iv, cols] + slopes[isl, cols] * (tpf - tt[iv, cols])
    return out.reshape(tp.shape).T

if __name__ == "__main__":
    import jax
    _d = setup_inputs()
    print(jax.jit(kernel)(*tuple(_d.values())))

</pallas_src>

<mosaic_0001>
#map = affine_map<(d0, d1) -> (0, 0)>
module attributes {stable_mosaic.version = 14 : i64} {
  func.func @_interp_body(%arg0: i32, %arg1: i32, %arg2: memref<100x1024xf32, #tpu.memory_space<hbm>>, %arg3: memref<100x1024xf32, #tpu.memory_space<hbm>>, %arg4: memref<128x1024xf32, #tpu.memory_space<hbm>>, %arg5: memref<128x1024xf32, #tpu.memory_space<hbm>>, %arg6: memref<128x32xf32, #tpu.memory_space<vmem>>, %arg7: memref<100x32xf32, #tpu.memory_space<vmem>>, %arg8: memref<99x32xf32, #tpu.memory_space<vmem>>, %arg9: memref<128x32xf32, #tpu.memory_space<vmem>>, %arg10: memref<128x32xf32, #tpu.memory_space<vmem>>, %arg11: memref<!tpu.dma_semaphore, #tpu.memory_space<semaphore_mem>>, %arg12: memref<!tpu.dma_semaphore, #tpu.memory_space<semaphore_mem>>, %arg13: memref<!tpu.dma_semaphore, #tpu.memory_space<semaphore_mem>>) attributes {dimension_semantics = [#tpu.dimension_semantics<core_parallel>, #tpu.dimension_semantics<subcore_parallel>], iteration_bounds = array<i64: 2, 16>, scalar_prefetch = 0 : i64, scratch_operands = 8 : i64, tpu.core_type = #tpu.core_type<sc_vector_subcore>, window_params = [{transform_indices = #map}, {transform_indices = #map}, {transform_indices = #map}, {transform_indices = #map}]} {
    %mul3A = arith.constant 2 : i32
    %mul3A_0 = arith.muli %arg1, %mul3A : i32
    %add3A = arith.addi %mul3A_0, %arg0 : i32
    %mul3A_1 = arith.constant 32 : i32
    %mul3A_2 = arith.muli %add3A, %mul3A_1 : i32
    %dma_start3A = arith.constant 0 : i32
    %dma_start3A_3 = arith.constant 0 : i32
    %dma_start3A_4 = tpu.memref_slice %arg6[%dma_start3A, %dma_start3A_3] : memref<128x32xf32, #tpu.memory_space<vmem>> -> memref<100x32xf32, #tpu.memory_space<vmem>>
    %dma_start3A_5 = arith.constant 0 : i32
    %dma_start3A_6 = tpu.memref_slice %arg2[%dma_start3A_5, %mul3A_2] : memref<100x1024xf32, #tpu.memory_space<hbm>> -> memref<100x32xf32, #tpu.memory_space<hbm>>
    %dma_start3A_7 = arith.constant 0 : i32
    %dma_start3A_8 = arith.constant 0 : i32
    %dma_start3A_9 = tpu.memref_slice %arg6[%dma_start3A_7, %dma_start3A_8] : memref<128x32xf32, #tpu.memory_space<vmem>> -> memref<100x32xf32, #tpu.memory_space<vmem>>
    %dma_start3A_10 = arith.constant 0 : i32
    %dma_start3A_11 = tpu.memref_slice %arg2[%dma_start3A_10, %mul3A_2] : memref<100x1024xf32, #tpu.memory_space<hbm>> -> memref<100x32xf32, #tpu.memory_space<hbm>>
    tpu.enqueue_dma source(%dma_start3A_11 : memref<100x32xf32, #tpu.memory_space<hbm>>) target(%dma_start3A_9 : memref<100x32xf32, #tpu.memory_space<vmem>>) target_semaphore(%arg11 : memref<!tpu.dma_semaphore, #tpu.memory_space<semaphore_mem>>)
    %dma_start3A_12 = arith.constant 0 : i32
    %dma_start3A_13 = tpu.memref_slice %arg3[%dma_start3A_12, %mul3A_2] : memref<100x1024xf32, #tpu.memory_space<hbm>> -> memref<100x32xf32, #tpu.memory_space<hbm>>
    %dma_start3A_14 = arith.constant 0 : i32
    %dma_start3A_15 = tpu.memref_slice %arg3[%dma_start3A_14, %mul3A_2] : memref<100x1024xf32, #tpu.memory_space<hbm>> -> memref<100x32xf32, #tpu.memory_space<hbm>>
    tpu.enqueue_dma source(%dma_start3A_15 : memref<100x32xf32, #tpu.memory_space<hbm>>) target(%arg7 : memref<100x32xf32, #tpu.memory_space<vmem>>) target_semaphore(%arg12 : memref<!tpu.dma_semaphore, #tpu.memory_space<semaphore_mem>>)
    %dma_start3A_16 = arith.constant 0 : i32
    %dma_start3A_17 = tpu.memref_slice %arg4[%dma_start3A_16, %mul3A_2] : memref<128x1024xf32, #tpu.memory_space<hbm>> -> memref<128x32xf32, #tpu.memory_space<hbm>>
    %dma_start3A_18 = arith.constant 0 : i32
    %dma_start3A_19 = tpu.memref_slice %arg4[%dma_start3A_18, %mul3A_2] : memref<128x1024xf32, #tpu.memory_space<hbm>> -> memref<128x32xf32, #tpu.memory_space<hbm>>
    tpu.enqueue_dma source(%dma_start3A_19 : memref<128x32xf32, #tpu.memory_space<hbm>>) target(%arg9 : memref<128x32xf32, #tpu.memory_space<vmem>>) target_semaphore(%arg13 : memref<!tpu.dma_semaphore, #tpu.memory_space<semaphore_mem>>)
    %broadcast_in_dim3A = arith.constant 0x7F800000 : f32
    %broadcast_in_dim3A_20 = vector.broadcast %broadcast_in_dim3A : f32 to vector<16xf32>
    %swap3A = arith.constant 100 : i32
    %swap3A_21 = arith.index_cast %swap3A : i32 to index
    %swap3A_22 = arith.constant 0 : index
    %swap3A_23 = tpu.vector_load %arg6[%swap3A_21, %swap3A_22] {strides = array<i32>} : memref<128x32xf32, #tpu.memory_space<vmem>>, vector<16xf32>,
    tpu.vector_store %arg6[%swap3A_21, %swap3A_22], %broadcast_in_dim3A_20 {strides = array<i32>} : memref<128x32xf32, #tpu.memory_space<vmem>>, vector<16xf32>,
    %swap3A_24 = arith.constant 100 : i32
    %swap3A_25 = arith.index_cast %swap3A_24 : i32 to index
    %swap3A_26 = arith.constant 16 : index
    %swap3A_27 = tpu.vector_load %arg6[%swap3A_25, %swap3A_26] {strides = array<i32>} : memref<128x32xf32, #tpu.memory_space<vmem>>, vector<16xf32>,
    tpu.vector_store %arg6[%swap3A_25, %swap3A_26], %broadcast_in_dim3A_20 {strides = array<i32>} : memref<128x32xf32, #tpu.memory_space<vmem>>, vector<16xf32>,
    %swap3A_28 = arith.constant 101 : i32
    %swap3A_29 = arith.index_cast %swap3A_28 : i32 to index
    %swap3A_30 = arith.constant 0 : index
    %swap3A_31 = tpu.vector_load %arg6[%swap3A_29, %swap3A_30] {strides = array<i32>} : memref<128x32xf32, #tpu.memory_space<vmem>>, vector<16xf32>,
    tpu.vector_store %arg6[%swap3A_29, %swap3A_30], %broadcast_in_dim3A_20 {strides = array<i32>} : memref<128x32xf32, #tpu.memory_space<vmem>>, vector<16xf32>,
    %swap3A_32 = arith.constant 101 : i32
    %swap3A_33 = arith.index_cast %swap3A_32 : i32 to index
    %swap3A_34 = arith.constant 16 : index
    %swap3A_35 = tpu.vector_load %arg6[%swap3A_33, %swap3A_34] {strides = array<i32>} : memref<128x32xf32, #tpu.memory_space<vmem>>, vector<16xf32>,
    tpu.vector_store %arg6[%swap3A_33, %swap3A_34], %broadcast_in_dim3A_20 {strides = array<i32>} : memref<128x32xf32, #tpu.memory_space<vmem>>, vector<16xf32>,
    %swap3A_36 = arith.constant 102 : i32
    %swap3A_37 = arith.index_cast %swap3A_36 : i32 to index
    %swap3A_38 = arith.constant 0 : index
    %swap3A_39 = tpu.vector_load %arg6[%swap3A_37, %swap3A_38] {strides = array<i32>} : memref<128x32xf32, #tpu.memory_space<vmem>>, vector<16xf32>,
    tpu.vector_store %arg6[%swap3A_37, %swap3A_38], %broadcast_in_dim3A_20 {strides = array<i32>} : memref<128x32xf32, #tpu.memory_space<vmem>>, vector<16xf32>,
    %swap3A_40 = arith.constant 102 : i32
    %swap3A_41 = arith.index_cast %swap3A_40 : i32 to index
    %swap3A_42 = arith.constant 16 : index
    %swap3A_43 = tpu.vector_load %arg6[%swap3A_41, %swap3A_42] {strides = array<i32>} : memref<128x32xf32, #tpu.memory_space<vmem>>, vector<16xf32>,
    tpu.vector_store %arg6[%swap3A_41, %swap3A_42], %broadcast_in_dim3A_20 {strides = array<i32>} : memref<128x32xf32, #tpu.memory_space<vmem>>, vector<16xf32>,
    %swap3A_44 = arith.constant 103 : i32
    %swap3A_45 = arith.index_cast %swap3A_44 : i32 to index
    %swap3A_46 = arith.constant 0 : index
    %swap3A_47 = tpu.vector_load %arg6[%swap3A_45, %swap3A_46] {strides = array<i32>} : memref<128x32xf32, #tpu.memory_space<vmem>>, vector<16xf32>,
    tpu.vector_store %arg6[%swap3A_45, %swap3A_46], %broadcast_in_dim3A_20 {strides = array<i32>} : memref<128x32xf32, #tpu.memory_space<vmem>>, vector<16xf32>,
    %swap3A_48 = arith.constant 103 : i32
    %swap3A_49 = arith.index_cast %swap3A_48 : i32 to index
    %swap3A_50 = arith.constant 16 : index
    %swap3A_51 = tpu.vector_load %arg6[%swap3A_49, %swap3A_50] {strides = array<i32>} : memref<128x32xf32, #tpu.memory_space<vmem>>, vector<16xf32>,
    tpu.vector_store %arg6[%swap3A_49, %swap3A_50], %broadcast_in_dim3A_20 {strides = array<i32>} : memref<128x32xf32, #tpu.memory_space<vmem>>, vector<16xf32>,
    %swap3A_52 = arith.constant 104 : i32
    %swap3A_53 = arith.index_cast %swap3A_52 : i32 to index
    %swap3A_54 = arith.constant 0 : index
    %swap3A_55 = tpu.vector_load %arg6[%swap3A_53, %swap3A_54] {strides = array<i32>} : memref<128x32xf32, #tpu.memory_space<vmem>>, vector<16xf32>,
    tpu.vector_store %arg6[%swap3A_53, %swap3A_54], %broadcast_in_dim3A_20 {strides = array<i32>} : memref<128x32xf32, #tpu.memory_space<vmem>>, vector<16xf32>,
    %swap3A_56 = arith.constant 104 : i32
    %swap3A_57 = arith.index_cast %swap3A_56 : i32 to index
    %swap3A_58 = arith.constant 16 : index
    %swap3A_59 = tpu.vector_load %arg6[%swap3A_57, %swap3A_58] {strides = array<i32>} : memref<128x32xf32, #tpu.memory_space<vmem>>, vector<16xf32>,
    tpu.vector_store %arg6[%swap3A_57, %swap3A_58], %broadcast_in_dim3A_20 {strides = array<i32>} : memref<128x32xf32, #tpu.memory_space<vmem>>, vector<16xf32>,
    %swap3A_60 = arith.constant 105 : i32
    %swap3A_61 = arith.index_cast %swap3A_60 : i32 to index
    %swap3A_62 = arith.constant 0 : index
    %swap3A_63 = tpu.vector_load %arg6[%swap3A_61, %swap3A_62] {strides = array<i32>} : memref<128x32xf32, #tpu.memory_space<vmem>>, vector<16xf32>,
    tpu.vector_store %arg6[%swap3A_61, %swap3A_62], %broadcast_in_dim3A_20 {strides = array<i32>} : memref<128x32xf32, #tpu.memory_space<vmem>>, vector<16xf32>,
    %swap3A_64 = arith.constant 105 : i32
    %swap3A_65 = arith.index_cast %swap3A_64 : i32 to index
    %swap3A_66 = arith.constant 16 : index
    %swap3A_67 = tpu.vector_load %arg6[%swap3A_65, %swap3A_66] {strides = array<i32>} : memref<128x32xf32, #tpu.memory_space<vmem>>, vector<16xf32>,
    tpu.vector_store %arg6[%swap3A_65, %swap3A_66], %broadcast_in_dim3A_20 {strides = array<i32>} : memref<128x32xf32, #tpu.memory_space<vmem>>, vector<16xf32>,
    %swap3A_68 = arith.constant 106 : i32
    %swap3A_69 = arith.index_cast %swap3A_68 : i32 to index
    %swap3A_70 = arith.constant 0 : index
    %swap3A_71 = tpu.vector_load %arg6[%swap3A_69, %swap3A_70] {strides = array<i32>} : memref<128x32xf32, #tpu.memory_space<vmem>>, vector<16xf32>,
    tpu.vector_store %arg6[%swap3A_69, %swap3A_70], %broadcast_in_dim3A_20 {strides = array<i32>} : memref<128x32xf32, #tpu.memory_space<vmem>>, vector<16xf32>,
    %swap3A_72 = arith.constant 106 : i32
    %swap3A_73 = arith.index_cast %swap3A_72 : i32 to index
    %swap3A_74 = arith.constant 16 : index
    %swap3A_75 = tpu.vector_load %arg6[%swap3A_73, %swap3A_74] {strides = array<i32>} : memref<128x32xf32, #tpu.memory_space<vmem>>, vector<16xf32>,
    tpu.vector_store %arg6[%swap3A_73, %swap3A_74], %broadcast_in_dim3A_20 {strides = array<i32>} : memref<128x32xf32, #tpu.memory_space<vmem>>, vector<16xf32>,
    %swap3A_76 = arith.constant 107 : i32
    %swap3A_77 = arith.index_cast %swap3A_76 : i32 to index
    %swap3A_78 = arith.constant 0 : index
    %swap3A_79 = tpu.vector_load %arg6[%swap3A_77, %swap3A_78] {strides = array<i32>} : memref<128x32xf32, #tpu.memory_space<vmem>>, vector<16xf32>,
    tpu.vector_store %arg6[%swap3A_77, %swap3A_78], %broadcast_in_dim3A_20 {strides = array<i32>} : memref<128x32xf32, #tpu.memory_space<vmem>>, vector<16xf32>,
    %swap3A_80 = arith.constant 107 : i32
    %swap3A_81 = arith.index_cast %swap3A_80 : i32 to index
    %swap3A_82 = arith.constant 16 : index
    %swap3A_83 = tpu.vector_load %arg6[%swap3A_81, %swap3A_82] {strides = array<i32>} : memref<128x32xf32, #tpu.memory_space<vmem>>, vector<16xf32>,
    tpu.vector_store %arg6[%swap3A_81, %swap3A_82], %broadcast_in_dim3A_20 {strides = array<i32>} : memref<128x32xf32, #tpu.memory_space<vmem>>, vector<16xf32>,
    %swap3A_84 = arith.constant 108 : i32
    %swap3A_85 = arith.index_cast %swap3A_84 : i32 to index
    %swap3A_86 = arith.constant 0 : index
    %swap3A_87 = tpu.vector_load %arg6[%swap3A_85, %swap3A_86] {strides = array<i32>} : memref<128x32xf32, #tpu.memory_space<vmem>>, vector<16xf32>,
    tpu.vector_store %arg6[%swap3A_85, %swap3A_86], %broadcast_in_dim3A_20 {strides = array<i32>} : memref<128x32xf32, #tpu.memory_space<vmem>>, vector<16xf32>,
    %swap3A_88 = arith.constant 108 : i32
    %swap3A_89 = arith.index_cast %swap3A_88 : i32 to index
    %swap3A_90 = arith.constant 16 : index
    %swap3A_91 = tpu.vector_load %arg6[%swap3A_89, %swap3A_90] {strides = array<i32>} : memref<128x32xf32, #tpu.memory_space<vmem>>, vector<16xf32>,
    tpu.vector_store %arg6[%swap3A_89, %swap3A_90], %broadcast_in_dim3A_20 {strides = array<i32>} : memref<128x32xf32, #tpu.memory_space<vmem>>, vector<16xf32>,
    %swap3A_92 = arith.constant 109 : i32
    %swap3A_93 = arith.index_cast %swap3A_92 : i32 to index
    %swap3A_94 = arith.constant 0 : index
    %swap3A_95 = tpu.vector_load %arg6[%swap3A_93, %swap3A_94] {strides = array<i32>} : memref<128x32xf32, #tpu.memory_space<vmem>>, vector<16xf32>,
    tpu.vector_store %arg6[%swap3A_93, %swap3A_94], %broadcast_in_dim3A_20 {strides = array<i32>} : memref<128x32xf32, #tpu.memory_space<vmem>>, vector<16xf32>,
    %swap3A_96 = arith.constant 109 : i32
    %swap3A_97 = arith.index_cast %swap3A_96 : i32 to index
    %swap3A_98 = arith.constant 16 : index
    %swap3A_99 = tpu.vector_load %arg6[%swap3A_97, %swap3A_98] {strides = array<i32>} : memref<128x32xf32, #tpu.memory_space<vmem>>, vector<16xf32>,
    tpu.vector_store %arg6[%swap3A_97, %swap3A_98], %broadcast_in_dim3A_20 {strides = array<i32>} : memref<128x32xf32, #tpu.memory_space<vmem>>, vector<16xf32>,
    %swap3A_100 = arith.constant 110 : i32
    %swap3A_101 = arith.index_cast %swap3A_100 : i32 to index
    %swap3A_102 = arith.constant 0 : index
    %swap3A_103 = tpu.vector_load %arg6[%swap3A_101, %swap3A_102] {strides = array<i32>} : memref<128x32xf32, #tpu.memory_space<vmem>>, vector<16xf32>,
    tpu.vector_store %arg6[%swap3A_101, %swap3A_102], %broadcast_in_dim3A_20 {strides = array<i32>} : memref<128x32xf32, #tpu.memory_space<vmem>>, vector<16xf32>,
    %swap3A_104 = arith.constant 110 : i32
    %swap3A_105 = arith.index_cast %swap3A_104 : i32 to index
    %swap3A_106 = arith.constant 16 : index
    %swap3A_107 = tpu.vector_load %arg6[%swap3A_105, %swap3A_106] {strides = array<i32>} : memref<128x32xf32, #tpu.memory_space<vmem>>, vector<16xf32>,
    tpu.vector_store %arg6[%swap3A_105, %swap3A_106], %broadcast_in_dim3A_20 {strides = array<i32>} : memref<128x32xf32, #tpu.memory_space<vmem>>, vector<16xf32>,
    %swap3A_108 = arith.constant 111 : i32
    %swap3A_109 = arith.index_cast %swap3A_108 : i32 to index
    %swap3A_110 = arith.constant 0 : index
    %swap3A_111 = tpu.vector_load %arg6[%swap3A_109, %swap3A_110] {strides = array<i32>} : memref<128x32xf32, #tpu.memory_space<vmem>>, vector<16xf32>,
    tpu.vector_store %arg6[%swap3A_109, %swap3A_110], %broadcast_in_dim3A_20 {strides = array<i32>} : memref<128x32xf32, #tpu.memory_space<vmem>>, vector<16xf32>,
    %swap3A_112 = arith.constant 111 : i32
    %swap3A_113 = arith.index_cast %swap3A_112 : i32 to index
    %swap3A_114 = arith.constant 16 : index
    %swap3A_115 = tpu.vector_load %arg6[%swap3A_113, %swap3A_114] {strides = array<i32>} : memref<128x32xf32, #tpu.memory_space<vmem>>, vector<16xf32>,
    tpu.vector_store %arg6[%swap3A_113, %swap3A_114], %broadcast_in_dim3A_20 {strides = array<i32>} : memref<128x32xf32, #tpu.memory_space<vmem>>, vector<16xf32>,
    %swap3A_116 = arith.constant 112 : i32
    %swap3A_117 = arith.index_cast %swap3A_116 : i32 to index
    %swap3A_118 = arith.constant 0 : index
    %swap3A_119 = tpu.vector_load %arg6[%swap3A_117, %swap3A_118] {strides = array<i32>} : memref<128x32xf32, #tpu.memory_space<vmem>>, vector<16xf32>,
    tpu.vector_store %arg6[%swap3A_117, %swap3A_118], %broadcast_in_dim3A_20 {strides = array<i32>} : memref<128x32xf32, #tpu.memory_space<vmem>>, vector<16xf32>,
    %swap3A_120 = arith.constant 112 : i32
    %swap3A_121 = arith.index_cast %swap3A_120 : i32 to index
    %swap3A_122 = arith.constant 16 : index
    %swap3A_123 = tpu.vector_load %arg6[%swap3A_121, %swap3A_122] {strides = array<i32>} : memref<128x32xf32, #tpu.memory_space<vmem>>, vector<16xf32>,
    tpu.vector_store %arg6[%swap3A_121, %swap3A_122], %broadcast_in_dim3A_20 {strides = array<i32>} : memref<128x32xf32, #tpu.memory_space<vmem>>, vector<16xf32>,
    %swap3A_124 = arith.constant 113 : i32
    %swap3A_125 = arith.index_cast %swap3A_124 : i32 to index
    %swap3A_126 = arith.constant 0 : index
    %swap3A_127 = tpu.vector_load %arg6[%swap3A_125, %swap3A_126] {strides = array<i32>} : memref<128x32xf32, #tpu.memory_space<vmem>>, vector<16xf32>,
    tpu.vector_store %arg6[%swap3A_125, %swap3A_126], %broadcast_in_dim3A_20 {strides = array<i32>} : memref<128x32xf32, #tpu.memory_space<vmem>>, vector<16xf32>,
    %swap3A_128 = arith.constant 113 : i32
    %swap3A_129 = arith.index_cast %swap3A_128 : i32 to index
    %swap3A_130 = arith.constant 16 : index
    %swap3A_131 = tpu.vector_load %arg6[%swap3A_129, %swap3A_130] {strides = array<i32>} : memref<128x32xf32, #tpu.memory_space<vmem>>, vector<16xf32>,
    tpu.vector_store %arg6[%swap3A_129, %swap3A_130], %broadcast_in_dim3A_20 {strides = array<i32>} : memref<128x32xf32, #tpu.memory_space<vmem>>, vector<16xf32>,
    %swap3A_132 = arith.constant 114 : i32
    %swap3A_133 = arith.index_cast %swap3A_132 : i32 to index
    %swap3A_134 = arith.constant 0 : index
    %swap3A_135 = tpu.vector_load %arg6[%swap3A_133, %swap3A_134] {strides = array<i32>} : memref<128x32xf32, #tpu.memory_space<vmem>>, vector<16xf32>,
    tpu.vector_store %arg6[%swap3A_133, %swap3A_134], %broadcast_in_dim3A_20 {strides = array<i32>} : memref<128x32xf32, #tpu.memory_space<vmem>>, vector<16xf32>,
    %swap3A_136 = arith.constant 114 : i32
    %swap3A_137 = arith.index_cast %swap3A_136 : i32 to index
    %swap3A_138 = arith.constant 16 : index
    %swap3A_139 = tpu.vector_load %arg6[%swap3A_137, %swap3A_138] {strides = array<i32>} : memref<128x32xf32, #tpu.memory_space<vmem>>, vector<16xf32>,
    tpu.vector_store %arg6[%swap3A_137, %swap3A_138], %broadcast_in_dim3A_20 {strides = array<i32>} : memref<128x32xf32, #tpu.memory_space<vmem>>, vector<16xf32>,
    %swap3A_140 = arith.constant 115 : i32
    %swap3A_141 = arith.index_cast %swap3A_140 : i32 to index
    %swap3A_142 = arith.constant 0 : index
    %swap3A_143 = tpu.vector_load %arg6[%swap3A_141, %swap3A_142] {strides = array<i32>} : memref<128x32xf32, #tpu.memory_space<vmem>>, vector<16xf32>,
    tpu.vector_store %arg6[%swap3A_141, %swap3A_142], %broadcast_in_dim3A_20 {strides = array<i32>} : memref<128x32xf32, #tpu.memory_space<vmem>>, vector<16xf32>,
    %swap3A_144 = arith.constant 115 : i32
    %swap3A_145 = arith.index_cast %swap3A_144 : i32 to index
    %swap3A_146 = arith.constant 16 : index
    %swap3A_147 = tpu.vector_load %arg6[%swap3A_145, %swap3A_146] {strides = array<i32>} : memref<128x32xf32, #tpu.memory_space<vmem>>, vector<16xf32>,
    tpu.vector_store %arg6[%swap3A_145, %swap3A_146], %broadcast_in_dim3A_20 {strides = array<i32>} : memref<128x32xf32, #tpu.memory_space<vmem>>, vector<16xf32>,
    %swap3A_148 = arith.constant 116 : i32
    %swap3A_149 = arith.index_cast %swap3A_148 : i32 to index
    %swap3A_150 = arith.constant 0 : index
    %swap3A_151 = tpu.vector_load %arg6[%swap3A_149, %swap3A_150] {strides = array<i32>} : memref<128x32xf32, #tpu.memory_space<vmem>>, vector<16xf32>,
    tpu.vector_store %arg6[%swap3A_149, %swap3A_150], %broadcast_in_dim3A_20 {strides = array<i32>} : memref<128x32xf32, #tpu.memory_space<vmem>>, vector<16xf32>,
    %swap3A_152 = arith.constant 116 : i32
    %swap3A_153 = arith.index_cast %swap3A_152 : i32 to index
    %swap3A_154 = arith.constant 16 : index
    %swap3A_155 = tpu.vector_load %arg6[%swap3A_153, %swap3A_154] {strides = array<i32>} : memref<128x32xf32, #tpu.memory_space<vmem>>, vector<16xf32>,
    tpu.vector_store %arg6[%swap3A_153, %swap3A_154], %broadcast_in_dim3A_20 {strides = array<i32>} : memref<128x32xf32, #tpu.memory_space<vmem>>, vector<16xf32>,
    %swap3A_156 = arith.constant 117 : i32
    %swap3A_157 = arith.index_cast %swap3A_156 : i32 to index
    %swap3A_158 = arith.constant 0 : index
    %swap3A_159 = tpu.vector_load %arg6[%swap3A_157, %swap3A_158] {strides = array<i32>} : memref<128x32xf32, #tpu.memory_space<vmem>>, vector<16xf32>,
    tpu.vector_store %arg6[%swap3A_157, %swap3A_158], %broadcast_in_dim3A_20 {strides = array<i32>} : memref<128x32xf32, #tpu.memory_space<vmem>>, vector<16xf32>,
    %swap3A_160 = arith.constant 117 : i32
    %swap3A_161 = arith.index_cast %swap3A_160 : i32 to index
    %swap3A_162 = arith.constant 16 : index
    %swap3A_163 = tpu.vector_load %arg6[%swap3A_161, %swap3A_162] {strides = array<i32>} : memref<128x32xf32, #tpu.memory_space<vmem>>, vector<16xf32>,
    tpu.vector_store %arg6[%swap3A_161, %swap3A_162], %broadcast_in_dim3A_20 {strides = array<i32>} : memref<128x32xf32, #tpu.memory_space<vmem>>, vector<16xf32>,
    %swap3A_164 = arith.constant 118 : i32
    %swap3A_165 = arith.index_cast %swap3A_164 : i32 to index
    %swap3A_166 = arith.constant 0 : index
    %swap3A_167 = tpu.vector_load %arg6[%swap3A_165, %swap3A_166] {strides = array<i32>} : memref<128x32xf32, #tpu.memory_space<vmem>>, vector<16xf32>,
    tpu.vector_store %arg6[%swap3A_165, %swap3A_166], %broadcast_in_dim3A_20 {strides = array<i32>} : memref<128x32xf32, #tpu.memory_space<vmem>>, vector<16xf32>,
    %swap3A_168 = arith.constant 118 : i32
    %swap3A_169 = arith.index_cast %swap3A_168 : i32 to index
    %swap3A_170 = arith.constant 16 : index
    %swap3A_171 = tpu.vector_load %arg6[%swap3A_169, %swap3A_170] {strides = array<i32>} : memref<128x32xf32, #tpu.memory_space<vmem>>, vector<16xf32>,
    tpu.vector_store %arg6[%swap3A_169, %swap3A_170], %broadcast_in_dim3A_20 {strides = array<i32>} : memref<128x32xf32, #tpu.memory_space<vmem>>, vector<16xf32>,
    %swap3A_172 = arith.constant 119 : i32
    %swap3A_173 = arith.index_cast %swap3A_172 : i32 to index
    %swap3A_174 = arith.constant 0 : index
    %swap3A_175 = tpu.vector_load %arg6[%swap3A_173, %swap3A_174] {strides = array<i32>} : memref<128x32xf32, #tpu.memory_space<vmem>>, vector<16xf32>,
    tpu.vector_store %arg6[%swap3A_173, %swap3A_174], %broadcast_in_dim3A_20 {strides = array<i32>} : memref<128x32xf32, #tpu.memory_space<vmem>>, vector<16xf32>,
    %swap3A_176 = arith.constant 119 : i32
    %swap3A_177 = arith.index_cast %swap3A_176 : i32 to index
    %swap3A_178 = arith.constant 16 : index
    %swap3A_179 = tpu.vector_load %arg6[%swap3A_177, %swap3A_178] {strides = array<i32>} : memref<128x32xf32, #tpu.memory_space<vmem>>, vector<16xf32>,
    tpu.vector_store %arg6[%swap3A_177, %swap3A_178], %broadcast_in_dim3A_20 {strides = array<i32>} : memref<128x32xf32, #tpu.memory_space<vmem>>, vector<16xf32>,
    %swap3A_180 = arith.constant 120 : i32
    %swap3A_181 = arith.index_cast %swap3A_180 : i32 to index
    %swap3A_182 = arith.constant 0 : index
    %swap3A_183 = tpu.vector_load %arg6[%swap3A_181, %swap3A_182] {strides = array<i32>} : memref<128x32xf32, #tpu.memory_space<vmem>>, vector<16xf32>,
    tpu.vector_store %arg6[%swap3A_181, %swap3A_182], %broadcast_in_dim3A_20 {strides = array<i32>} : memref<128x32xf32, #tpu.memory_space<vmem>>, vector<16xf32>,
    %swap3A_184 = arith.constant 120 : i32
    %swap3A_185 = arith.index_cast %swap3A_184 : i32 to index
    %swap3A_186 = arith.constant 16 : index
    %swap3A_187 = tpu.vector_load %arg6[%swap3A_185, %swap3A_186] {strides = array<i32>} : memref<128x32xf32, #tpu.memory_space<vmem>>, vector<16xf32>,
    tpu.vector_store %arg6[%swap3A_185, %swap3A_186], %broadcast_in_dim3A_20 {strides = array<i32>} : memref<128x32xf32, #tpu.memory_space<vmem>>, vector<16xf32>,
    %swap3A_188 = arith.constant 121 : i32
    %swap3A_189 = arith.index_cast %swap3A_188 : i32 to index
    %swap3A_190 = arith.constant 0 : index
    %swap3A_191 = tpu.vector_load %arg6[%swap3A_189, %swap3A_190] {strides = array<i32>} : memref<128x32xf32, #tpu.memory_space<vmem>>, vector<16xf32>,
    tpu.vector_store %arg6[%swap3A_189, %swap3A_190], %broadcast_in_dim3A_20 {strides = array<i32>} : memref<128x32xf32, #tpu.memory_space<vmem>>, vector<16xf32>,
    %swap3A_192 = arith.constant 121 : i32
    %swap3A_193 = arith.index_cast %swap3A_192 : i32 to index
    %swap3A_194 = arith.constant 16 : index
    %swap3A_195 = tpu.vector_load %arg6[%swap3A_193, %swap3A_194] {strides = array<i32>} : memref<128x32xf32, #tpu.memory_space<vmem>>, vector<16xf32>,
    tpu.vector_store %arg6[%swap3A_193, %swap3A_194], %broadcast_in_dim3A_20 {strides = array<i32>} : memref<128x32xf32, #tpu.memory_space<vmem>>, vector<16xf32>,
    %swap3A_196 = arith.constant 122 : i32
    %swap3A_197 = arith.index_cast %swap3A_196 : i32 to index
    %swap3A_198 = arith.constant 0 : index
    %swap3A_199 = tpu.vector_load %arg6[%swap3A_197, %swap3A_198] {strides = array<i32>} : memref<128x32xf32, #tpu.memory_space<vmem>>, vector<16xf32>,
    tpu.vector_store %arg6[%swap3A_197, %swap3A_198], %broadcast_in_dim3A_20 {strides = array<i32>} : memref<128x32xf32, #tpu.memory_space<vmem>>, vector<16xf32>,
    %swap3A_200 = arith.constant 122 : i32
    %swap3A_201 = arith.index_cast %swap3A_200 : i32 to index
    %swap3A_202 = arith.constant 16 : index
    %swap3A_203 = tpu.vector_load %arg6[%swap3A_201, %swap3A_202] {strides = array<i32>} : memref<128x32xf32, #tpu.memory_space<vmem>>, vector<16xf32>,
    tpu.vector_store %arg6[%swap3A_201, %swap3A_202], %broadcast_in_dim3A_20 {strides = array<i32>} : memref<128x32xf32, #tpu.memory_space<vmem>>, vector<16xf32>,
    %swap3A_204 = arith.constant 123 : i32
    %swap3A_205 = arith.index_cast %swap3A_204 : i32 to index
    %swap3A_206 = arith.constant 0 : index
    %swap3A_207 = tpu.vector_load %arg6[%swap3A_205, %swap3A_206] {strides = array<i32>} : memref<128x32xf32, #tpu.memory_space<vmem>>, vector<16xf32>,
    tpu.vector_store %arg6[%swap3A_205, %swap3A_206], %broadcast_in_dim3A_20 {strides = array<i32>} : memref<128x32xf32, #tpu.memory_space<vmem>>, vector<16xf32>,
    %swap3A_208 = arith.constant 123 : i32
    %swap3A_209 = arith.index_cast %swap3A_208 : i32 to index
    %swap3A_210 = arith.constant 16 : index
    %swap3A_211 = tpu.vector_load %arg6[%swap3A_209, %swap3A_210] {strides = array<i32>} : memref<128x32xf32, #tpu.memory_space<vmem>>, vector<16xf32>,
    tpu.vector_store %arg6[%swap3A_209, %swap3A_210], %broadcast_in_dim3A_20 {strides = array<i32>} : memref<128x32xf32, #tpu.memory_space<vmem>>, vector<16xf32>,
    %swap3A_212 = arith.constant 124 : i32
    %swap3A_213 = arith.index_cast %swap3A_212 : i32 to index
    %swap3A_214 = arith.constant 0 : index
    %swap3A_215 = tpu.vector_load %arg6[%swap3A_213, %swap3A_214] {strides = array<i32>} : memref<128x32xf32, #tpu.memory_space<vmem>>, vector<16xf32>,
    tpu.vector_store %arg6[%swap3A_213, %swap3A_214], %broadcast_in_dim3A_20 {strides = array<i32>} : memref<128x32xf32, #tpu.memory_space<vmem>>, vector<16xf32>,
    %swap3A_216 = arith.constant 124 : i32
    %swap3A_217 = arith.index_cast %swap3A_216 : i32 to index
    %swap3A_218 = arith.constant 16 : index
    %swap3A_219 = tpu.vector_load %arg6[%swap3A_217, %swap3A_218] {strides = array<i32>} : memref<128x32xf32, #tpu.memory_space<vmem>>, vector<16xf32>,
    tpu.vector_store %arg6[%swap3A_217, %swap3A_218], %broadcast_in_dim3A_20 {strides = array<i32>} : memref<128x32xf32, #tpu.memory_space<vmem>>, vector<16xf32>,
    %swap3A_220 = arith.constant 125 : i32
    %swap3A_221 = arith.index_cast %swap3A_220 : i32 to index
    %swap3A_222 = arith.constant 0 : index
    %swap3A_223 = tpu.vector_load %arg6[%swap3A_221, %swap3A_222] {strides = array<i32>} : memref<128x32xf32, #tpu.memory_space<vmem>>, vector<16xf32>,
    tpu.vector_store %arg6[%swap3A_221, %swap3A_222], %broadcast_in_dim3A_20 {strides = array<i32>} : memref<128x32xf32, #tpu.memory_space<vmem>>, vector<16xf32>,
    %swap3A_224 = arith.constant 125 : i32
    %swap3A_225 = arith.index_cast %swap3A_224 : i32 to index
    %swap3A_226 = arith.constant 16 : index
    %swap3A_227 = tpu.vector_load %arg6[%swap3A_225, %swap3A_226] {strides = array<i32>} : memref<128x32xf32, #tpu.memory_space<vmem>>, vector<16xf32>,
    tpu.vector_store %arg6[%swap3A_225, %swap3A_226], %broadcast_in_dim3A_20 {strides = array<i32>} : memref<128x32xf32, #tpu.memory_space<vmem>>, vector<16xf32>,
    %swap3A_228 = arith.constant 126 : i32
    %swap3A_229 = arith.index_cast %swap3A_228 : i32 to index
    %swap3A_230 = arith.constant 0 : index
    %swap3A_231 = tpu.vector_load %arg6[%swap3A_229, %swap3A_230] {strides = array<i32>} : memref<128x32xf32, #tpu.memory_space<vmem>>, vector<16xf32>,
    tpu.vector_store %arg6[%swap3A_229, %swap3A_230], %broadcast_in_dim3A_20 {strides = array<i32>} : memref<128x32xf32, #tpu.memory_space<vmem>>, vector<16xf32>,
    %swap3A_232 = arith.constant 126 : i32
    %swap3A_233 = arith.index_cast %swap3A_232 : i32 to index
    %swap3A_234 = arith.constant 16 : index
    %swap3A_235 = tpu.vector_load %arg6[%swap3A_233, %swap3A_234] {strides = array<i32>} : memref<128x32xf32, #tpu.memory_space<vmem>>, vector<16xf32>,
    tpu.vector_store %arg6[%swap3A_233, %swap3A_234], %broadcast_in_dim3A_20 {strides = array<i32>} : memref<128x32xf32, #tpu.memory_space<vmem>>, vector<16xf32>,
    %swap3A_236 = arith.constant 127 : i32
    %swap3A_237 = arith.index_cast %swap3A_236 : i32 to index
    %swap3A_238 = arith.constant 0 : index
    %swap3A_239 = tpu.vector_load %arg6[%swap3A_237, %swap3A_238] {strides = array<i32>} : memref<128x32xf32, #tpu.memory_space<vmem>>, vector<16xf32>,
    tpu.vector_store %arg6[%swap3A_237, %swap3A_238], %broadcast_in_dim3A_20 {strides = array<i32>} : memref<128x32xf32, #tpu.memory_space<vmem>>, vector<16xf32>,
    %swap3A_240 = arith.constant 127 : i32
    %swap3A_241 = arith.index_cast %swap3A_240 : i32 to index
    %swap3A_242 = arith.constant 16 : index
    %swap3A_243 = tpu.vector_load %arg6[%swap3A_241, %swap3A_242] {strides = array<i32>} : memref<128x32xf32, #tpu.memory_space<vmem>>, vector<16xf32>,
    tpu.vector_store %arg6[%swap3A_241, %swap3A_242], %broadcast_in_dim3A_20 {strides = array<i32>} : memref<128x32xf32, #tpu.memory_space<vmem>>, vector<16xf32>,
    %dma_wait3A = arith.constant 0 : i32
    %dma_wait3A_244 = arith.constant 0 : i32
    %dma_wait3A_245 = tpu.memref_slice %arg6[%dma_wait3A, %dma_wait3A_244] : memref<128x32xf32, #tpu.memory_space<vmem>> -> memref<100x32xf32, #tpu.memory_space<vmem>>
    %dma_wait3A_246 = arith.constant 0 : i32
    %dma_wait3A_247 = tpu.memref_slice %arg2[%dma_wait3A_246, %mul3A_2] : memref<100x1024xf32, #tpu.memory_space<hbm>> -> memref<100x32xf32, #tpu.memory_space<hbm>>
    %dma_wait3A_248 = arith.constant 0 : i32
    %dma_wait3A_249 = arith.constant 0 : i32
    %dma_wait3A_250 = tpu.memref_slice %arg6[%dma_wait3A_248, %dma_wait3A_249] : memref<128x32xf32, #tpu.memory_space<vmem>> -> memref<100x32xf32, #tpu.memory_space<vmem>>
    %dma_wait3A_251 = arith.constant 0 : i32
    %dma_wait3A_252 = tpu.memref_slice %arg2[%dma_wait3A_251, %mul3A_2] : memref<100x1024xf32, #tpu.memory_space<hbm>> -> memref<100x32xf32, #tpu.memory_space<hbm>>
    tpu.wait_dma2 semaphore(%arg11 : memref<!tpu.dma_semaphore, #tpu.memory_space<semaphore_mem>>) src(%dma_wait3A_252 : memref<100x32xf32, #tpu.memory_space<hbm>>) dst(%dma_wait3A_250 : memref<100x32xf32, #tpu.memory_space<vmem>>)
    %dma_wait3A_253 = arith.constant 0 : i32
    %dma_wait3A_254 = tpu.memref_slice %arg3[%dma_wait3A_253, %mul3A_2] : memref<100x1024xf32, #tpu.memory_space<hbm>> -> memref<100x32xf32, #tpu.memory_space<hbm>>
    %dma_wait3A_255 = arith.constant 0 : i32
    %dma_wait3A_256 = tpu.memref_slice %arg3[%dma_wait3A_255, %mul3A_2] : memref<100x1024xf32, #tpu.memory_space<hbm>> -> memref<100x32xf32, #tpu.memory_space<hbm>>
    tpu.wait_dma2 semaphore(%arg12 : memref<!tpu.dma_semaphore, #tpu.memory_space<semaphore_mem>>) src(%dma_wait3A_256 : memref<100x32xf32, #tpu.memory_space<hbm>>) dst(%arg7 : memref<100x32xf32, #tpu.memory_space<vmem>>)
    %parallel_loop3A = arith.constant 0 : i32
    %parallel_loop3A_257 = arith.constant 99 : i32
    %parallel_loop3A_258 = arith.constant 1 : i32
    scf.for %parallel_loop3A_385 = %parallel_loop3A to %parallel_loop3A_257 step %parallel_loop3A_258  : i32 {
      %parallel_loop3A_386 = arith.index_cast %parallel_loop3A_385 : i32 to index
      %parallel_loop3A_387 = arith.constant 0 : index
      %parallel_loop3A_388 = tpu.vector_load %arg7[%parallel_loop3A_386, %parallel_loop3A_387] {strides = array<i32>} : memref<100x32xf32, #tpu.memory_space<vmem>>, vector<16xf32>,
      %parallel_loop3A_389 = arith.constant 1 : i32
      %parallel_loop3A_390 = arith.addi %parallel_loop3A_385, %parallel_loop3A_389 : i32
      %parallel_loop3A_391 = arith.index_cast %parallel_loop3A_390 : i32 to index
      %parallel_loop3A_392 = arith.constant 0 : index
      %parallel_loop3A_393 = tpu.vector_load %arg7[%parallel_loop3A_391, %parallel_loop3A_392] {strides = array<i32>} : memref<100x32xf32, #tpu.memory_space<vmem>>, vector<16xf32>,
      %parallel_loop3A_394 = arith.index_cast %parallel_loop3A_385 : i32 to index
      %parallel_loop3A_395 = arith.constant 0 : index
      %parallel_loop3A_396 = tpu.vector_load %arg6[%parallel_loop3A_394, %parallel_loop3A_395] {strides = array<i32>} : memref<128x32xf32, #tpu.memory_space<vmem>>, vector<16xf32>,
      %parallel_loop3A_397 = arith.constant 1 : i32
      %parallel_loop3A_398 = arith.addi %parallel_loop3A_385, %parallel_loop3A_397 : i32
      %parallel_loop3A_399 = arith.index_cast %parallel_loop3A_398 : i32 to index
      %parallel_loop3A_400 = arith.constant 0 : index
      %parallel_loop3A_401 = tpu.vector_load %arg6[%parallel_loop3A_399, %parallel_loop3A_400] {strides = array<i32>} : memref<128x32xf32, #tpu.memory_space<vmem>>, vector<16xf32>,
      %parallel_loop3A_402 = arith.subf %parallel_loop3A_393, %parallel_loop3A_388 : vector<16xf32>
      %parallel_loop3A_403 = arith.subf %parallel_loop3A_401, %parallel_loop3A_396 : vector<16xf32>
      %parallel_loop3A_404 = arith.divf %parallel_loop3A_402, %parallel_loop3A_403 : vector<16xf32>
      %parallel_loop3A_405 = arith.index_cast %parallel_loop3A_385 : i32 to index
      %parallel_loop3A_406 = arith.constant 0 : index
      %parallel_loop3A_407 = tpu.vector_load %arg8[%parallel_loop3A_405, %parallel_loop3A_406] {strides = array<i32>} : memref<99x32xf32, #tpu.memory_space<vmem>>, vector<16xf32>,
      tpu.vector_store %arg8[%parallel_loop3A_405, %parallel_loop3A_406], %parallel_loop3A_404 {strides = array<i32>} : memref<99x32xf32, #tpu.memory_space<vmem>>, vector<16xf32>,
      %parallel_loop3A_408 = arith.index_cast %parallel_loop3A_385 : i32 to index
      %parallel_loop3A_409 = arith.constant 16 : index
      %parallel_loop3A_410 = tpu.vector_load %arg7[%parallel_loop3A_408, %parallel_loop3A_409] {strides = array<i32>} : memref<100x32xf32, #tpu.memory_space<vmem>>, vector<16xf32>,
      %parallel_loop3A_411 = arith.constant 1 : i32
      %parallel_loop3A_412 = arith.addi %parallel_loop3A_385, %parallel_loop3A_411 : i32
      %parallel_loop3A_413 = arith.index_cast %parallel_loop3A_412 : i32 to index
      %parallel_loop3A_414 = arith.constant 16 : index
      %parallel_loop3A_415 = tpu.vector_load %arg7[%parallel_loop3A_413, %parallel_loop3A_414] {strides = array<i32>} : memref<100x32xf32, #tpu.memory_space<vmem>>, vector<16xf32>,
      %parallel_loop3A_416 = arith.index_cast %parallel_loop3A_385 : i32 to index
      %parallel_loop3A_417 = arith.constant 16 : index
      %parallel_loop3A_418 = tpu.vector_load %arg6[%parallel_loop3A_416, %parallel_loop3A_417] {strides = array<i32>} : memref<128x32xf32, #tpu.memory_space<vmem>>, vector<16xf32>,
      %parallel_loop3A_419 = arith.constant 1 : i32
      %parallel_loop3A_420 = arith.addi %parallel_loop3A_385, %parallel_loop3A_419 : i32
      %parallel_loop3A_421 = arith.index_cast %parallel_loop3A_420 : i32 to index
      %parallel_loop3A_422 = arith.constant 16 : index
      %parallel_loop3A_423 = tpu.vector_load %arg6[%parallel_loop3A_421, %parallel_loop3A_422] {strides = array<i32>} : memref<128x32xf32, #tpu.memory_space<vmem>>, vector<16xf32>,
      %parallel_loop3A_424 = arith.subf %parallel_loop3A_415, %parallel_loop3A_410 : vector<16xf32>
      %parallel_loop3A_425 = arith.subf %parallel_loop3A_423, %parallel_loop3A_418 : vector<16xf32>
      %parallel_loop3A_426 = arith.divf %parallel_loop3A_424, %parallel_loop3A_425 : vector<16xf32>
      %parallel_loop3A_427 = arith.index_cast %parallel_loop3A_385 : i32 to index
      %parallel_loop3A_428 = arith.constant 16 : index
      %parallel_loop3A_429 = tpu.vector_load %arg8[%parallel_loop3A_427, %parallel_loop3A_428] {strides = array<i32>} : memref<99x32xf32, #tpu.memory_space<vmem>>, vector<16xf32>,
      tpu.vector_store %arg8[%parallel_loop3A_427, %parallel_loop3A_428], %parallel_loop3A_426 {strides = array<i32>} : memref<99x32xf32, #tpu.memory_space<vmem>>, vector<16xf32>,
    } {sc.loop_unroll_factor = 4 : i64, sc.parallel_access}
    %dma_wait3A_259 = arith.constant 0 : i32
    %dma_wait3A_260 = tpu.memref_slice %arg4[%dma_wait3A_259, %mul3A_2] : memref<128x1024xf32, #tpu.memory_space<hbm>> -> memref<128x32xf32, #tpu.memory_space<hbm>>
    %dma_wait3A_261 = arith.constant 0 : i32
    %dma_wait3A_262 = tpu.memref_slice %arg4[%dma_wait3A_261, %mul3A_2] : memref<128x1024xf32, #tpu.memory_space<hbm>> -> memref<128x32xf32, #tpu.memory_space<hbm>>
    tpu.wait_dma2 semaphore(%arg13 : memref<!tpu.dma_semaphore, #tpu.memory_space<semaphore_mem>>) src(%dma_wait3A_262 : memref<128x32xf32, #tpu.memory_space<hbm>>) dst(%arg9 : memref<128x32xf32, #tpu.memory_space<vmem>>)
    %get3A = arith.constant 63 : i32
    %get3A_263 = arith.index_cast %get3A : i32 to index
    %get3A_264 = arith.constant 0 : index
    %get3A_265 = tpu.vector_load %arg6[%get3A_263, %get3A_264] {strides = array<i32>} : memref<128x32xf32, #tpu.memory_space<vmem>>, vector<16xf32>,
    %get3A_266 = arith.constant 31 : i32
    %get3A_267 = arith.index_cast %get3A_266 : i32 to index
    %get3A_268 = arith.constant 0 : index
    %get3A_269 = tpu.vector_load %arg6[%get3A_267, %get3A_268] {strides = array<i32>} : memref<128x32xf32, #tpu.memory_space<vmem>>, vector<16xf32>,
    %get3A_270 = arith.constant 95 : i32
    %get3A_271 = arith.index_cast %get3A_270 : i32 to index
    %get3A_272 = arith.constant 0 : index
    %get3A_273 = tpu.vector_load %arg6[%get3A_271, %get3A_272] {strides = array<i32>} : memref<128x32xf32, #tpu.memory_space<vmem>>, vector<16xf32>,
    %get3A_274 = arith.constant 15 : i32
    %get3A_275 = arith.index_cast %get3A_274 : i32 to index
    %get3A_276 = arith.constant 0 : index
    %get3A_277 = tpu.vector_load %arg6[%get3A_275, %get3A_276] {strides = array<i32>} : memref<128x32xf32, #tpu.memory_space<vmem>>, vector<16xf32>,
    %get3A_278 = arith.constant 47 : i32
    %get3A_279 = arith.index_cast %get3A_278 : i32 to index
    %get3A_280 = arith.constant 0 : index
    %get3A_281 = tpu.vector_load %arg6[%get3A_279, %get3A_280] {strides = array<i32>} : memref<128x32xf32, #tpu.memory_space<vmem>>, vector<16xf32>,
    %get3A_282 = arith.constant 79 : i32
    %get3A_283 = arith.index_cast %get3A_282 : i32 to index
    %get3A_284 = arith.constant 0 : index
    %get3A_285 = tpu.vector_load %arg6[%get3A_283, %get3A_284] {strides = array<i32>} : memref<128x32xf32, #tpu.memory_space<vmem>>, vector<16xf32>,
    %get3A_286 = arith.constant 111 : i32
    %get3A_287 = arith.index_cast %get3A_286 : i32 to index
    %get3A_288 = arith.constant 0 : index
    %get3A_289 = tpu.vector_load %arg6[%get3A_287, %get3A_288] {strides = array<i32>} : memref<128x32xf32, #tpu.memory_space<vmem>>, vector<16xf32>,
    %get3A_290 = arith.constant 7 : i32
    %get3A_291 = arith.index_cast %get3A_290 : i32 to index
    %get3A_292 = arith.constant 0 : index
    %get3A_293 = tpu.vector_load %arg6[%get3A_291, %get3A_292] {strides = array<i32>} : memref<128x32xf32, #tpu.memory_space<vmem>>, vector<16xf32>,
    %get3A_294 = arith.constant 23 : i32
    %get3A_295 = arith.index_cast %get3A_294 : i32 to index
    %get3A_296 = arith.constant 0 : index
    %get3A_297 = tpu.vector_load %arg6[%get3A_295, %get3A_296] {strides = array<i32>} : memref<128x32xf32, #tpu.memory_space<vmem>>, vector<16xf32>,
    %get3A_298 = arith.constant 39 : i32
    %get3A_299 = arith.index_cast %get3A_298 : i32 to index
    %get3A_300 = arith.constant 0 : index
    %get3A_301 = tpu.vector_load %arg6[%get3A_299, %get3A_300] {strides = array<i32>} : memref<128x32xf32, #tpu.memory_space<vmem>>, vector<16xf32>,
    %get3A_302 = arith.constant 55 : i32
    %get3A_303 = arith.index_cast %get3A_302 : i32 to index
    %get3A_304 = arith.constant 0 : index
    %get3A_305 = tpu.vector_load %arg6[%get3A_303, %get3A_304] {strides = array<i32>} : memref<128x32xf32, #tpu.memory_space<vmem>>, vector<16xf32>,
    %get3A_306 = arith.constant 71 : i32
    %get3A_307 = arith.index_cast %get3A_306 : i32 to index
    %get3A_308 = arith.constant 0 : index
    %get3A_309 = tpu.vector_load %arg6[%get3A_307, %get3A_308] {strides = array<i32>} : memref<128x32xf32, #tpu.memory_space<vmem>>, vector<16xf32>,
    %get3A_310 = arith.constant 87 : i32
    %get3A_311 = arith.index_cast %get3A_310 : i32 to index
    %get3A_312 = arith.constant 0 : index
    %get3A_313 = tpu.vector_load %arg6[%get3A_311, %get3A_312] {strides = array<i32>} : memref<128x32xf32, #tpu.memory_space<vmem>>, vector<16xf32>,
    %get3A_314 = arith.constant 103 : i32
    %get3A_315 = arith.index_cast %get3A_314 : i32 to index
    %get3A_316 = arith.constant 0 : index
    %get3A_317 = tpu.vector_load %arg6[%get3A_315, %get3A_316] {strides = array<i32>} : memref<128x32xf32, #tpu.memory_space<vmem>>, vector<16xf32>,
    %get3A_318 = arith.constant 119 : i32
    %get3A_319 = arith.index_cast %get3A_318 : i32 to index
    %get3A_320 = arith.constant 0 : index
    %get3A_321 = tpu.vector_load %arg6[%get3A_319, %get3A_320] {strides = array<i32>} : memref<128x32xf32, #tpu.memory_space<vmem>>, vector<16xf32>,
    %get3A_322 = arith.constant 63 : i32
    %get3A_323 = arith.index_cast %get3A_322 : i32 to index
    %get3A_324 = arith.constant 16 : index
    %get3A_325 = tpu.vector_load %arg6[%get3A_323, %get3A_324] {strides = array<i32>} : memref<128x32xf32, #tpu.memory_space<vmem>>, vector<16xf32>,
    %get3A_326 = arith.constant 31 : i32
    %get3A_327 = arith.index_cast %get3A_326 : i32 to index
    %get3A_328 = arith.constant 16 : index
    %get3A_329 = tpu.vector_load %arg6[%get3A_327, %get3A_328] {strides = array<i32>} : memref<128x32xf32, #tpu.memory_space<vmem>>, vector<16xf32>,
    %get3A_330 = arith.constant 95 : i32
    %get3A_331 = arith.index_cast %get3A_330 : i32 to index
    %get3A_332 = arith.constant 16 : index
    %get3A_333 = tpu.vector_load %arg6[%get3A_331, %get3A_332] {strides = array<i32>} : memref<128x32xf32, #tpu.memory_space<vmem>>, vector<16xf32>,
    %get3A_334 = arith.constant 15 : i32
    %get3A_335 = arith.index_cast %get3A_334 : i32 to index
    %get3A_336 = arith.constant 16 : index
    %get3A_337 = tpu.vector_load %arg6[%get3A_335, %get3A_336] {strides = array<i32>} : memref<128x32xf32, #tpu.memory_space<vmem>>, vector<16xf32>,
    %get3A_338 = arith.constant 47 : i32
    %get3A_339 = arith.index_cast %get3A_338 : i32 to index
    %get3A_340 = arith.constant 16 : index
    %get3A_341 = tpu.vector_load %arg6[%get3A_339, %get3A_340] {strides = array<i32>} : memref<128x32xf32, #tpu.memory_space<vmem>>, vector<16xf32>,
    %get3A_342 = arith.constant 79 : i32
    %get3A_343 = arith.index_cast %get3A_342 : i32 to index
    %get3A_344 = arith.constant 16 : index
    %get3A_345 = tpu.vector_load %arg6[%get3A_343, %get3A_344] {strides = array<i32>} : memref<128x32xf32, #tpu.memory_space<vmem>>, vector<16xf32>,
    %get3A_346 = arith.constant 111 : i32
    %get3A_347 = arith.index_cast %get3A_346 : i32 to index
    %get3A_348 = arith.constant 16 : index
    %get3A_349 = tpu.vector_load %arg6[%get3A_347, %get3A_348] {strides = array<i32>} : memref<128x32xf32, #tpu.memory_space<vmem>>, vector<16xf32>,
    %get3A_350 = arith.constant 7 : i32
    %get3A_351 = arith.index_cast %get3A_350 : i32 to index
    %get3A_352 = arith.constant 16 : index
    %get3A_353 = tpu.vector_load %arg6[%get3A_351, %get3A_352] {strides = array<i32>} : memref<128x32xf32, #tpu.memory_space<vmem>>, vector<16xf32>,
    %get3A_354 = arith.constant 23 : i32
    %get3A_355 = arith.index_cast %get3A_354 : i32 to index
    %get3A_356 = arith.constant 16 : index
    %get3A_357 = tpu.vector_load %arg6[%get3A_355, %get3A_356] {strides = array<i32>} : memref<128x32xf32, #tpu.memory_space<vmem>>, vector<16xf32>,
    %get3A_358 = arith.constant 39 : i32
    %get3A_359 = arith.index_cast %get3A_358 : i32 to index
    %get3A_360 = arith.constant 16 : index
    %get3A_361 = tpu.vector_load %arg6[%get3A_359, %get3A_360] {strides = array<i32>} : memref<128x32xf32, #tpu.memory_space<vmem>>, vector<16xf32>,
    %get3A_362 = arith.constant 55 : i32
    %get3A_363 = arith.index_cast %get3A_362 : i32 to index
    %get3A_364 = arith.constant 16 : index
    %get3A_365 = tpu.vector_load %arg6[%get3A_363, %get3A_364] {strides = array<i32>} : memref<128x32xf32, #tpu.memory_space<vmem>>, vector<16xf32>,
    %get3A_366 = arith.constant 71 : i32
    %get3A_367 = arith.index_cast %get3A_366 : i32 to index
    %get3A_368 = arith.constant 16 : index
    %get3A_369 = tpu.vector_load %arg6[%get3A_367, %get3A_368] {strides = array<i32>} : memref<128x32xf32, #tpu.memory_space<vmem>>, vector<16xf32>,
    %get3A_370 = arith.constant 87 : i32
    %get3A_371 = arith.index_cast %get3A_370 : i32 to index
    %get3A_372 = arith.constant 16 : index
    %get3A_373 = tpu.vector_load %arg6[%get3A_371, %get3A_372] {strides = array<i32>} : memref<128x32xf32, #tpu.memory_space<vmem>>, vector<16xf32>,
    %get3A_374 = arith.constant 103 : i32
    %get3A_375 = arith.index_cast %get3A_374 : i32 to index
    %get3A_376 = arith.constant 16 : index
    %get3A_377 = tpu.vector_load %arg6[%get3A_375, %get3A_376] {strides = array<i32>} : memref<128x32xf32, #tpu.memory_space<vmem>>, vector<16xf32>,
    %get3A_378 = arith.constant 119 : i32
    %get3A_379 = arith.index_cast %get3A_378 : i32 to index
    %get3A_380 = arith.constant 16 : index
    %get3A_381 = tpu.vector_load %arg6[%get3A_379, %get3A_380] {strides = array<i32>} : memref<128x32xf32, #tpu.memory_space<vmem>>, vector<16xf32>,
    %parallel_loop3A_382 = arith.constant 0 : i32
    %parallel_loop3A_383 = arith.constant 128 : i32
    %parallel_loop3A_384 = arith.constant 1 : i32
    scf.for %parallel_loop3A_385 = %parallel_loop3A_382 to %parallel_loop3A_383 step %parallel_loop3A_384  : i32 {
      %parallel_loop3A_386 = tpu.iota {dimensions = array<i32: 0>} : vector<16xi32>
      %parallel_loop3A_387 = arith.constant 0 : i32
      %parallel_loop3A_388 = vector.broadcast %parallel_loop3A_387 : i32 to vector<16xi32>
      %parallel_loop3A_389 = arith.addi %parallel_loop3A_386, %parallel_loop3A_388 : vector<16xi32>
      %parallel_loop3A_390 = arith.index_cast %parallel_loop3A_385 : i32 to index
      %parallel_loop3A_391 = arith.constant 0 : index
      %parallel_loop3A_392 = tpu.vector_load %arg9[%parallel_loop3A_390, %parallel_loop3A_391] {strides = array<i32>} : memref<128x32xf32, #tpu.memory_space<vmem>>, vector<16xf32>,
      %parallel_loop3A_393 = arith.cmpf ole, %get3A_265, %parallel_loop3A_392 : vector<16xf32>
      %parallel_loop3A_394 = arith.constant 64 : i32
      %parallel_loop3A_395 = arith.constant 0 : i32
      %parallel_loop3A_396 = vector.broadcast %parallel_loop3A_394 : i32 to vector<16xi32>
      %parallel_loop3A_397 = vector.broadcast %parallel_loop3A_395 : i32 to vector<16xi32>
      %parallel_loop3A_398 = arith.select %parallel_loop3A_393, %parallel_loop3A_396, %parallel_loop3A_397 : vector<16xi1>, vector<16xi32>
      %parallel_loop3A_399 = arith.select %parallel_loop3A_393, %get3A_273, %get3A_269 : vector<16xi1>, vector<16xf32>
      %parallel_loop3A_400 = arith.cmpf ole, %parallel_loop3A_399, %parallel_loop3A_392 : vector<16xf32>
      %parallel_loop3A_401 = arith.constant 32 : i32
      %parallel_loop3A_402 = vector.broadcast %parallel_loop3A_401 : i32 to vector<16xi32>
      %parallel_loop3A_403 = arith.addi %parallel_loop3A_398, %parallel_loop3A_402 : vector<16xi32>
      %parallel_loop3A_404 = arith.select %parallel_loop3A_400, %parallel_loop3A_403, %parallel_loop3A_398 : vector<16xi1>, vector<16xi32>
      %parallel_loop3A_405 = arith.select %parallel_loop3A_393, %get3A_289, %get3A_281 : vector<16xi1>, vector<16xf32>
      %parallel_loop3A_406 = arith.select %parallel_loop3A_393, %get3A_285, %get3A_277 : vector<16xi1>, vector<16xf32>
      %parallel_loop3A_407 = arith.select %parallel_loop3A_400, %parallel_loop3A_405, %parallel_loop3A_406 : vector<16xi1>, vector<16xf32>
      %parallel_loop3A_408 = arith.cmpf ole, %parallel_loop3A_407, %parallel_loop3A_392 : vector<16xf32>
      %parallel_loop3A_409 = arith.constant 16 : i32
      %parallel_loop3A_410 = vector.broadcast %parallel_loop3A_409 : i32 to vector<16xi32>
      %parallel_loop3A_411 = arith.addi %parallel_loop3A_404, %parallel_loop3A_410 : vector<16xi32>
      %parallel_loop3A_412 = arith.select %parallel_loop3A_408, %parallel_loop3A_411, %parallel_loop3A_404 : vector<16xi1>, vector<16xi32>
      %parallel_loop3A_413 = arith.select %parallel_loop3A_393, %get3A_321, %get3A_305 : vector<16xi1>, vector<16xf32>
      %parallel_loop3A_414 = arith.select %parallel_loop3A_393, %get3A_313, %get3A_297 : vector<16xi1>, vector<16xf32>
      %parallel_loop3A_415 = arith.select %parallel_loop3A_400, %parallel_loop3A_413, %parallel_loop3A_414 : vector<16xi1>, vector<16xf32>
      %parallel_loop3A_416 = arith.select %parallel_loop3A_393, %get3A_317, %get3A_301 : vector<16xi1>, vector<16xf32>
      %parallel_loop3A_417 = arith.select %parallel_loop3A_393, %get3A_309, %get3A_293 : vector<16xi1>, vector<16xf32>
      %parallel_loop3A_418 = arith.select %parallel_loop3A_400, %parallel_loop3A_416, %parallel_loop3A_417 : vector<16xi1>, vector<16xf32>
      %parallel_loop3A_419 = arith.select %parallel_loop3A_408, %parallel_loop3A_415, %parallel_loop3A_418 : vector<16xi1>, vector<16xf32>
      %parallel_loop3A_420 = arith.cmpf ole, %parallel_loop3A_419, %parallel_loop3A_392 : vector<16xf32>
      %parallel_loop3A_421 = arith.constant 8 : i32
      %parallel_loop3A_422 = vector.broadcast %parallel_loop3A_421 : i32 to vector<16xi32>
      %parallel_loop3A_423 = arith.addi %parallel_loop3A_412, %parallel_loop3A_422 : vector<16xi32>
      %parallel_loop3A_424 = arith.select %parallel_loop3A_420, %parallel_loop3A_423, %parallel_loop3A_412 : vector<16xi1>, vector<16xi32>
      %parallel_loop3A_425 = arith.constant 3 : i32
      %parallel_loop3A_426 = vector.broadcast %parallel_loop3A_425 : i32 to vector<16xi32>
      %parallel_loop3A_427 = arith.addi %parallel_loop3A_424, %parallel_loop3A_426 : vector<16xi32>
      %parallel_loop3A_428 = tpu.vector_load_idx %arg6[%parallel_loop3A_427, %parallel_loop3A_389] : memref<128x32xf32, #tpu.memory_space<vmem>>[vector<16xi32>, vector<16xi32>], vector<16xf32>,
      %parallel_loop3A_429 = arith.cmpf ole, %parallel_loop3A_428, %parallel_loop3A_392 : vector<16xf32>
      %parallel_loop3A_430 = arith.constant 4 : i32
      %parallel_loop3A_431 = vector.broadcast %parallel_loop3A_430 : i32 to vector<16xi32>
      %parallel_loop3A_432 = arith.addi %parallel_loop3A_424, %parallel_loop3A_431 : vector<16xi32>
      %parallel_loop3A_433 = arith.select %parallel_loop3A_429, %parallel_loop3A_432, %parallel_loop3A_424 : vector<16xi1>, vector<16xi32>
      %parallel_loop3A_434 = arith.constant 1 : i32
      %parallel_loop3A_435 = vector.broadcast %parallel_loop3A_434 : i32 to vector<16xi32>
      %parallel_loop3A_436 = arith.addi %parallel_loop3A_433, %parallel_loop3A_435 : vector<16xi32>
      %parallel_loop3A_437 = tpu.vector_load_idx %arg6[%parallel_loop3A_436, %parallel_loop3A_389] : memref<128x32xf32, #tpu.memory_space<vmem>>[vector<16xi32>, vector<16xi32>], vector<16xf32>,
      %parallel_loop3A_438 = arith.cmpf ole, %parallel_loop3A_437, %parallel_loop3A_392 : vector<16xf32>
      %parallel_loop3A_439 = arith.constant 2 : i32
      %parallel_loop3A_440 = vector.broadcast %parallel_loop3A_439 : i32 to vector<16xi32>
      %parallel_loop3A_441 = arith.addi %parallel_loop3A_433, %parallel_loop3A_440 : vector<16xi32>
      %parallel_loop3A_442 = arith.select %parallel_loop3A_438, %parallel_loop3A_441, %parallel_loop3A_433 : vector<16xi1>, vector<16xi32>
      %parallel_loop3A_443 = arith.constant 0 : i32
      %parallel_loop3A_444 = vector.broadcast %parallel_loop3A_443 : i32 to vector<16xi32>
      %parallel_loop3A_445 = arith.addi %parallel_loop3A_442, %parallel_loop3A_444 : vector<16xi32>
      %parallel_loop3A_446 = tpu.vector_load_idx %arg6[%parallel_loop3A_445, %parallel_loop3A_389] : memref<128x32xf32, #tpu.memory_space<vmem>>[vector<16xi32>, vector<16xi32>], vector<16xf32>,
      %parallel_loop3A_447 = arith.cmpf ole, %parallel_loop3A_446, %parallel_loop3A_392 : vector<16xf32>
      %parallel_loop3A_448 = arith.constant 1 : i32
      %parallel_loop3A_449 = vector.broadcast %parallel_loop3A_448 : i32 to vector<16xi32>
      %parallel_loop3A_450 = arith.addi %parallel_loop3A_442, %parallel_loop3A_449 : vector<16xi32>
      %parallel_loop3A_451 = arith.select %parallel_loop3A_447, %parallel_loop3A_450, %parallel_loop3A_442 : vector<16xi1>, vector<16xi32>
      %parallel_loop3A_452 = arith.constant 0 : i32
      %parallel_loop3A_453 = vector.broadcast %parallel_loop3A_452 : i32 to vector<16xi32>
      %parallel_loop3A_454 = arith.cmpi eq, %parallel_loop3A_451, %parallel_loop3A_453 : vector<16xi32>
      %parallel_loop3A_455 = arith.constant 100 : i32
      %parallel_loop3A_456 = vector.broadcast %parallel_loop3A_455 : i32 to vector<16xi32>
      %parallel_loop3A_457 = arith.cmpi eq, %parallel_loop3A_451, %parallel_loop3A_456 : vector<16xi32>
      %parallel_loop3A_458 = arith.ori %parallel_loop3A_454, %parallel_loop3A_457 : vector<16xi1>
      %parallel_loop3A_459 = arith.constant 1 : i32
      %parallel_loop3A_460 = vector.broadcast %parallel_loop3A_459 : i32 to vector<16xi32>
      %parallel_loop3A_461 = arith.subi %parallel_loop3A_451, %parallel_loop3A_460 : vector<16xi32>
      %parallel_loop3A_462 = arith.constant 99 : i32
      %parallel_loop3A_463 = vector.broadcast %parallel_loop3A_462 : i32 to vector<16xi32>
      %parallel_loop3A_464 = arith.select %parallel_loop3A_458, %parallel_loop3A_463, %parallel_loop3A_461 : vector<16xi1>, vector<16xi32>
      %parallel_loop3A_465 = arith.constant 1 : i32
      %parallel_loop3A_466 = vector.broadcast %parallel_loop3A_465 : i32 to vector<16xi32>
      %parallel_loop3A_467 = arith.subi %parallel_loop3A_451, %parallel_loop3A_466 : vector<16xi32>
      %parallel_loop3A_468 = arith.constant 98 : i32
      %parallel_loop3A_469 = vector.broadcast %parallel_loop3A_468 : i32 to vector<16xi32>
      %parallel_loop3A_470 = arith.select %parallel_loop3A_458, %parallel_loop3A_469, %parallel_loop3A_467 : vector<16xi1>, vector<16xi32>
      %parallel_loop3A_471 = tpu.vector_load_idx %arg7[%parallel_loop3A_464, %parallel_loop3A_389] : memref<100x32xf32, #tpu.memory_space<vmem>>[vector<16xi32>, vector<16xi32>], vector<16xf32>,
      %parallel_loop3A_472 = tpu.vector_load_idx %arg6[%parallel_loop3A_464, %parallel_loop3A_389] : memref<128x32xf32, #tpu.memory_space<vmem>>[vector<16xi32>, vector<16xi32>], vector<16xf32>,
      %parallel_loop3A_473 = tpu.vector_load_idx %arg8[%parallel_loop3A_470, %parallel_loop3A_389] : memref<99x32xf32, #tpu.memory_space<vmem>>[vector<16xi32>, vector<16xi32>], vector<16xf32>,
      %parallel_loop3A_474 = arith.subf %parallel_loop3A_392, %parallel_loop3A_472 : vector<16xf32>
      %parallel_loop3A_475 = arith.mulf %parallel_loop3A_473, %parallel_loop3A_474 : vector<16xf32>
      %parallel_loop3A_476 = arith.addf %parallel_loop3A_471, %parallel_loop3A_475 : vector<16xf32>
      %parallel_loop3A_477 = arith.index_cast %parallel_loop3A_385 : i32 to index
      %parallel_loop3A_478 = arith.constant 0 : index
      %parallel_loop3A_479 = tpu.vector_load %arg10[%parallel_loop3A_477, %parallel_loop3A_478] {strides = array<i32>} : memref<128x32xf32, #tpu.memory_space<vmem>>, vector<16xf32>,
      tpu.vector_store %arg10[%parallel_loop3A_477, %parallel_loop3A_478], %parallel_loop3A_476 {strides = array<i32>} : memref<128x32xf32, #tpu.memory_space<vmem>>, vector<16xf32>,
      %parallel_loop3A_480 = tpu.iota {dimensions = array<i32: 0>} : vector<16xi32>
      %parallel_loop3A_481 = arith.constant 16 : i32
      %parallel_loop3A_482 = vector.broadcast %parallel_loop3A_481 : i32 to vector<16xi32>
      %parallel_loop3A_483 = arith.addi %parallel_loop3A_480, %parallel_loop3A_482 : vector<16xi32>
      %parallel_loop3A_484 = arith.index_cast %parallel_loop3A_385 : i32 to index
      %parallel_loop3A_485 = arith.constant 16 : index
      %parallel_loop3A_486 = tpu.vector_load %arg9[%parallel_loop3A_484, %parallel_loop3A_485] {strides = array<i32>} : memref<128x32xf32, #tpu.memory_space<vmem>>, vector<16xf32>,
      %parallel_loop3A_487 = arith.cmpf ole, %get3A_325, %parallel_loop3A_486 : vector<16xf32>
      %parallel_loop3A_488 = arith.constant 64 : i32
      %parallel_loop3A_489 = arith.constant 0 : i32
      %parallel_loop3A_490 = vector.broadcast %parallel_loop3A_488 : i32 to vector<16xi32>
      %parallel_loop3A_491 = vector.broadcast %parallel_loop3A_489 : i32 to vector<16xi32>
      %parallel_loop3A_492 = arith.select %parallel_loop3A_487, %parallel_loop3A_490, %parallel_loop3A_491 : vector<16xi1>, vector<16xi32>
      %parallel_loop3A_493 = arith.select %parallel_loop3A_487, %get3A_333, %get3A_329 : vector<16xi1>, vector<16xf32>
      %parallel_loop3A_494 = arith.cmpf ole, %parallel_loop3A_493, %parallel_loop3A_486 : vector<16xf32>
      %parallel_loop3A_495 = arith.constant 32 : i32
      %parallel_loop3A_496 = vector.broadcast %parallel_loop3A_495 : i32 to vector<16xi32>
      %parallel_loop3A_497 = arith.addi %parallel_loop3A_492, %parallel_loop3A_496 : vector<16xi32>
      %parallel_loop3A_498 = arith.select %parallel_loop3A_494, %parallel_loop3A_497, %parallel_loop3A_492 : vector<16xi1>, vector<16xi32>
      %parallel_loop3A_499 = arith.select %parallel_loop3A_487, %get3A_349, %get3A_341 : vector<16xi1>, vector<16xf32>
      %parallel_loop3A_500 = arith.select %parallel_loop3A_487, %get3A_345, %get3A_337 : vector<16xi1>, vector<16xf32>
      %parallel_loop3A_501 = arith.select %parallel_loop3A_494, %parallel_loop3A_499, %parallel_loop3A_500 : vector<16xi1>, vector<16xf32>
      %parallel_loop3A_502 = arith.cmpf ole, %parallel_loop3A_501, %parallel_loop3A_486 : vector<16xf32>
      %parallel_loop3A_503 = arith.constant 16 : i32
      %parallel_loop3A_504 = vector.broadcast %parallel_loop3A_503 : i32 to vector<16xi32>
      %parallel_loop3A_505 = arith.addi %parallel_loop3A_498, %parallel_loop3A_504 : vector<16xi32>
      %parallel_loop3A_506 = arith.select %parallel_loop3A_502, %parallel_loop3A_505, %parallel_loop3A_498 : vector<16xi1>, vector<16xi32>
      %parallel_loop3A_507 = arith.select %parallel_loop3A_487, %get3A_381, %get3A_365 : vector<16xi1>, vector<16xf32>
      %parallel_loop3A_508 = arith.select %parallel_loop3A_487, %get3A_373, %get3A_357 : vector<16xi1>, vector<16xf32>
      %parallel_loop3A_509 = arith.select %parallel_loop3A_494, %parallel_loop3A_507, %parallel_loop3A_508 : vector<16xi1>, vector<16xf32>
      %parallel_loop3A_510 = arith.select %parallel_loop3A_487, %get3A_377, %get3A_361 : vector<16xi1>, vector<16xf32>
      %parallel_loop3A_511 = arith.select %parallel_loop3A_487, %get3A_369, %get3A_353 : vector<16xi1>, vector<16xf32>
      %parallel_loop3A_512 = arith.select %parallel_loop3A_494, %parallel_loop3A_510, %parallel_loop3A_511 : vector<16xi1>, vector<16xf32>
      %parallel_loop3A_513 = arith.select %parallel_loop3A_502, %parallel_loop3A_509, %parallel_loop3A_512 : vector<16xi1>, vector<16xf32>
      %parallel_loop3A_514 = arith.cmpf ole, %parallel_loop3A_513, %parallel_loop3A_486 : vector<16xf32>
      %parallel_loop3A_515 = arith.constant 8 : i32
      %parallel_loop3A_516 = vector.broadcast %parallel_loop3A_515 : i32 to vector<16xi32>
      %parallel_loop3A_517 = arith.addi %parallel_loop3A_506, %parallel_loop3A_516 : vector<16xi32>
      %parallel_loop3A_518 = arith.select %parallel_loop3A_514, %parallel_loop3A_517, %parallel_loop3A_506 : vector<16xi1>, vector<16xi32>
      %parallel_loop3A_519 = arith.constant 3 : i32
      %parallel_loop3A_520 = vector.broadcast %parallel_loop3A_519 : i32 to vector<16xi32>
      %parallel_loop3A_521 = arith.addi %parallel_loop3A_518, %parallel_loop3A_520 : vector<16xi32>
      %parallel_loop3A_522 = tpu.vector_load_idx %arg6[%parallel_loop3A_521, %parallel_loop3A_483] : memref<128x32xf32, #tpu.memory_space<vmem>>[vector<16xi32>, vector<16xi32>], vector<16xf32>,
      %parallel_loop3A_523 = arith.cmpf ole, %parallel_loop3A_522, %parallel_loop3A_486 : vector<16xf32>
      %parallel_loop3A_524 = arith.constant 4 : i32
      %parallel_loop3A_525 = vector.broadcast %parallel_loop3A_524 : i32 to vector<16xi32>
      %parallel_loop3A_526 = arith.addi %parallel_loop3A_518, %parallel_loop3A_525 : vector<16xi32>
      %parallel_loop3A_527 = arith.select %parallel_loop3A_523, %parallel_loop3A_526, %parallel_loop3A_518 : vector<16xi1>, vector<16xi32>
      %parallel_loop3A_528 = arith.constant 1 : i32
      %parallel_loop3A_529 = vector.broadcast %parallel_loop3A_528 : i32 to vector<16xi32>
      %parallel_loop3A_530 = arith.addi %parallel_loop3A_527, %parallel_loop3A_529 : vector<16xi32>
      %parallel_loop3A_531 = tpu.vector_load_idx %arg6[%parallel_loop3A_530, %parallel_loop3A_483] : memref<128x32xf32, #tpu.memory_space<vmem>>[vector<16xi32>, vector<16xi32>], vector<16xf32>,
      %parallel_loop3A_532 = arith.cmpf ole, %parallel_loop3A_531, %parallel_loop3A_486 : vector<16xf32>
      %parallel_loop3A_533 = arith.constant 2 : i32
      %parallel_loop3A_534 = vector.broadcast %parallel_loop3A_533 : i32 to vector<16xi32>
      %parallel_loop3A_535 = arith.addi %parallel_loop3A_527, %parallel_loop3A_534 : vector<16xi32>
      %parallel_loop3A_536 = arith.select %parallel_loop3A_532, %parallel_loop3A_535, %parallel_loop3A_527 : vector<16xi1>, vector<16xi32>
      %parallel_loop3A_537 = arith.constant 0 : i32
      %parallel_loop3A_538 = vector.broadcast %parallel_loop3A_537 : i32 to vector<16xi32>
      %parallel_loop3A_539 = arith.addi %parallel_loop3A_536, %parallel_loop3A_538 : vector<16xi32>
      %parallel_loop3A_540 = tpu.vector_load_idx %arg6[%parallel_loop3A_539, %parallel_loop3A_483] : memref<128x32xf32, #tpu.memory_space<vmem>>[vector<16xi32>, vector<16xi32>], vector<16xf32>,
      %parallel_loop3A_541 = arith.cmpf ole, %parallel_loop3A_540, %parallel_loop3A_486 : vector<16xf32>
      %parallel_loop3A_542 = arith.constant 1 : i32
      %parallel_loop3A_543 = vector.broadcast %parallel_loop3A_542 : i32 to vector<16xi32>
      %parallel_loop3A_544 = arith.addi %parallel_loop3A_536, %parallel_loop3A_543 : vector<16xi32>
      %parallel_loop3A_545 = arith.select %parallel_loop3A_541, %parallel_loop3A_544, %parallel_loop3A_536 : vector<16xi1>, vector<16xi32>
      %parallel_loop3A_546 = arith.constant 0 : i32
      %parallel_loop3A_547 = vector.broadcast %parallel_loop3A_546 : i32 to vector<16xi32>
      %parallel_loop3A_548 = arith.cmpi eq, %parallel_loop3A_545, %parallel_loop3A_547 : vector<16xi32>
      %parallel_loop3A_549 = arith.constant 100 : i32
      %parallel_loop3A_550 = vector.broadcast %parallel_loop3A_549 : i32 to vector<16xi32>
      %parallel_loop3A_551 = arith.cmpi eq, %parallel_loop3A_545, %parallel_loop3A_550 : vector<16xi32>
      %parallel_loop3A_552 = arith.ori %parallel_loop3A_548, %parallel_loop3A_551 : vector<16xi1>
      %parallel_loop3A_553 = arith.constant 1 : i32
      %parallel_loop3A_554 = vector.broadcast %parallel_loop3A_553 : i32 to vector<16xi32>
      %parallel_loop3A_555 = arith.subi %parallel_loop3A_545, %parallel_loop3A_554 : vector<16xi32>
      %parallel_loop3A_556 = arith.constant 99 : i32
      %parallel_loop3A_557 = vector.broadcast %parallel_loop3A_556 : i32 to vector<16xi32>
      %parallel_loop3A_558 = arith.select %parallel_loop3A_552, %parallel_loop3A_557, %parallel_loop3A_555 : vector<16xi1>, vector<16xi32>
      %parallel_loop3A_559 = arith.constant 1 : i32
      %parallel_loop3A_560 = vector.broadcast %parallel_loop3A_559 : i32 to vector<16xi32>
      %parallel_loop3A_561 = arith.subi %parallel_loop3A_545, %parallel_loop3A_560 : vector<16xi32>
      %parallel_loop3A_562 = arith.constant 98 : i32
      %parallel_loop3A_563 = vector.broadcast %parallel_loop3A_562 : i32 to vector<16xi32>
      %parallel_loop3A_564 = arith.select %parallel_loop3A_552, %parallel_loop3A_563, %parallel_loop3A_561 : vector<16xi1>, vector<16xi32>
      %parallel_loop3A_565 = tpu.vector_load_idx %arg7[%parallel_loop3A_558, %parallel_loop3A_483] : memref<100x32xf32, #tpu.memory_space<vmem>>[vector<16xi32>, vector<16xi32>], vector<16xf32>,
      %parallel_loop3A_566 = tpu.vector_load_idx %arg6[%parallel_loop3A_558, %parallel_loop3A_483] : memref<128x32xf32, #tpu.memory_space<vmem>>[vector<16xi32>, vector<16xi32>], vector<16xf32>,
      %parallel_loop3A_567 = tpu.vector_load_idx %arg8[%parallel_loop3A_564, %parallel_loop3A_483] : memref<99x32xf32, #tpu.memory_space<vmem>>[vector<16xi32>, vector<16xi32>], vector<16xf32>,
      %parallel_loop3A_568 = arith.subf %parallel_loop3A_486, %parallel_loop3A_566 : vector<16xf32>
      %parallel_loop3A_569 = arith.mulf %parallel_loop3A_567, %parallel_loop3A_568 : vector<16xf32>
      %parallel_loop3A_570 = arith.addf %parallel_loop3A_565, %parallel_loop3A_569 : vector<16xf32>
      %parallel_loop3A_571 = arith.index_cast %parallel_loop3A_385 : i32 to index
      %parallel_loop3A_572 = arith.constant 16 : index
      %parallel_loop3A_573 = tpu.vector_load %arg10[%parallel_loop3A_571, %parallel_loop3A_572] {strides = array<i32>} : memref<128x32xf32, #tpu.memory_space<vmem>>, vector<16xf32>,
      tpu.vector_store %arg10[%parallel_loop3A_571, %parallel_loop3A_572], %parallel_loop3A_570 {strides = array<i32>} : memref<128x32xf32, #tpu.memory_space<vmem>>, vector<16xf32>,
    } {sc.loop_unroll_factor = 2 : i64, sc.parallel_access}
    "tpu.region"() ({
      %run_scoped3A = tpu.sem_alloc : memref<!tpu.dma_semaphore, #tpu.memory_space<semaphore_mem>>
      %dma_start3A_385 = arith.constant 0 : i32
      %dma_start3A_386 = tpu.memref_slice %arg5[%dma_start3A_385, %mul3A_2] : memref<128x1024xf32, #tpu.memory_space<hbm>> -> memref<128x32xf32, #tpu.memory_space<hbm>>
      %dma_start3A_387 = arith.constant 0 : i32
      %dma_start3A_388 = tpu.memref_slice %arg5[%dma_start3A_387, %mul3A_2] : memref<128x1024xf32, #tpu.memory_space<hbm>> -> memref<128x32xf32, #tpu.memory_space<hbm>>
      tpu.enqueue_dma source(%arg10 : memref<128x32xf32, #tpu.memory_space<vmem>>) target(%dma_start3A_388 : memref<128x32xf32, #tpu.memory_space<hbm>>) target_semaphore(%run_scoped3A : memref<!tpu.dma_semaphore, #tpu.memory_space<semaphore_mem>>)
      %dma_wait3A_389 = arith.constant 0 : i32
      %dma_wait3A_390 = tpu.memref_slice %arg5[%dma_wait3A_389, %mul3A_2] : memref<128x1024xf32, #tpu.memory_space<hbm>> -> memref<128x32xf32, #tpu.memory_space<hbm>>
      %dma_wait3A_391 = arith.constant 0 : i32
      %dma_wait3A_392 = tpu.memref_slice %arg5[%dma_wait3A_391, %mul3A_2] : memref<128x1024xf32, #tpu.memory_space<hbm>> -> memref<128x32xf32, #tpu.memory_space<hbm>>
      tpu.wait_dma2 semaphore(%run_scoped3A : memref<!tpu.dma_semaphore, #tpu.memory_space<semaphore_mem>>) src(%arg10 : memref<128x32xf32, #tpu.memory_space<vmem>>) dst(%dma_wait3A_392 : memref<128x32xf32, #tpu.memory_space<hbm>>)
      tpu.yield
    }) : () -> ()
    return
  }
}

</mosaic_0001>

<sc_bundles>
// kernel: _run.3.cloned.1.call-start
scs
__scs_entry_jumppad:
0x0: {  	(pc) =	sbr.rel $0x88, $3  }
0x1: {  	(tag) =	ssettag $0x0;
	lr =	simm.s32 $0x1  }
0x2: {  	[smem:$0x3F9E] =	sst lr;
	_ =	strace $0xD0000000  }
0x3: {  	_ = 	snop  }
0x4: {  	_ = 	snop  }
0x5: {  	_ = 	snop  }
0x6: {  	_ = 	snop  }
0x7: {  	_ = 	snop  }
__scs_overlays_trampoline_lowered:
0x8: {  	[smem:$0x3FAD] =	sst s0  }
0x9: {  	[smem:$0x3FAE] =	sst s1  }
0xa: {  	[smem:$0x3FAF] =	sst s2  }
0xb: {  	[smem:$0x3FB0] =	sst s3  }
0xc: {  	[smem:$0x3FB1] =	sst s4  }
0xd: {  	[smem:$0x3FB2] =	sst s5  }
0xe: {  	[smem:$0x3FB3] =	sst s6  }
0xf: {  	[smem:$0x3FB4] =	sst s7  }
0x10: {  	[smem:$0x3FB5] =	sst s8  }
0x11: {  	[smem:$0x3FB6] =	sst s9;
	s0 =	simm.s32 @!p0 $0x0  }
0x12: {  	s1 =	sld [smem:$0x3F9C];
	s0 =	simm.s32 @p0 $0x1  }
0x13: {  	[smem:$0x3FB7] =	sst s0;
	s0 =	simm.s32 @!p1 $0x0  }
0x14: {  	s2 =	sld [smem:$0x3F9B];
	s0 =	simm.s32 @p1 $0x1  }
0x15: {  	[smem:$0x3FB8] =	sst s0;
	s0 =	simm.s32 @!p2 $0x0  }
0x16: {  	s3 =	sld [smem:$0x3FDB];
	s0 =	simm.s32 @p2 $0x1  }
0x17: {  	s4 =	simm.s32 $0x1BF5;
	[smem:$0x3FBA] =	sst s0  }
0x18: {  	s0 =	sld [smem:$0x3F9D];
	_ =	swait.ge [sflag:s4], $0x0  }
0x19: {  	s7 =	sld [smem:$0x3F9E]  }
0x1a: {  	s8 =	sadd.s32 $0xFFFFE003, lr  }
0x1b: {  	s9 =	sadd.s32 $0xFFFFFEF7, lr;
	s5 =	simm.s32 $0xFFFFFFFF;
	p2 =	slt.u32 s8, $0xFFFFF086  }
0x1c: {  	p1 =	slt.u32 s9, $0xF7A;
	s5 =	simm.s32 @!p2 $0x0  }
0x1d: {  	s5 =	simm.s32 @p1 $0x1;
	p0 =	seq.s32 s7, s2  }
0x1e: {  	s7 =	smul.u32 @!p0 $0xF7A, s2;
	p2 =	seq.s32 @!p0 s5, $0x0  }
0x1f: {  	s9 =	smul.u32 $0xF7A, s1;
	s8 =	simm.s32 @!p0 $0x1BF5;
	p2 =	por !p2, p0  }
0x20: {  	[sflag:s8] =	ssyncset.s32 @!p0 $0xFFFFF086;
	s6 =	sadd.s32 @!p0 s3, s7;
	s7 =	simm.s32 @!p0 $0x108  }
0x21: {  	s3 =	sadd.s32 s3, s9;
	s6 =	sadd.s32 @!p0 $0x88, s6;
	s7 =	simm.s32 @p2 $0x1082  }
0x22: {  	[simem:s7], [sflag:s8] =	dma.local @!p0 [hbm:s6], $0xF7A  }
0x23: {  	s9 =	sor.u32 $0xD0000000, s2;
	s6 =	simm.s32 $0x108;
	_ =	swait.ge @!p0 [sflag:s8], $0x0  }
0x24: {  	s3 =	sadd.s32 $0x88, s3;
	s6 =	simm.s32 @!p1 $0x1082;
	[sflag:s4] =	ssyncset.s32 $0xFFFFF086  }
0x25: {  	[simem:s6], [sflag:s4] =	dma.local [hbm:s3], $0xF7A  }
0x26: {  	[smem:$0x3F9E] =	sst s1;
	(tag) =	ssettag s2;
	_ =	strace s9  }
0x27: {  	s1 =	sld [smem:$0x3FAE]  }
0x28: {  	s2 =	sld [smem:$0x3FAF]  }
0x29: {  	s4 =	sld [smem:$0x3FB1]  }
0x2a: {  	p0 =	seq.s32 s5, $0x0;
	s5 =	sld [smem:$0x3FB2]  }
0x2b: {  	s6 =	sld [smem:$0x3FB3]  }
0x2c: {  	s7 =	sld [smem:$0x3FB4]  }
0x2d: {  	s3 =	simm.s32 $0x108;
	s8 =	sld [smem:$0x3FB5]  }
0x2e: {  	s3 =	simm.s32 @!p0 $0x1082;
	s9 =	sld [smem:$0x3FB6]  }
0x2f: {  	lr =	sadd.s32 s0, s3;
	s0 =	sld [smem:$0x3FAD]  }
0x30: {  	s3 =	sld [smem:$0x3FB0]  }
0x31: {  	[smem:$0x3FB9] =	sst s10  }
0x32: {  	s10 =	sld [smem:$0x3FB7];
	_ =	sdelay $0x3  }
0x33: {  	p0 =	seq.s32 s10, $0x1;
	s10 =	sld [smem:$0x3FB9];
	_ =	sdelay $0x3  }
0x34: {  	[smem:$0x3FB9] =	sst s10  }
0x35: {  	s10 =	sld [smem:$0x3FB8];
	_ =	sdelay $0x3  }
0x36: {  	p1 =	seq.s32 s10, $0x1;
	s10 =	sld [smem:$0x3FB9];
	_ =	sdelay $0x3  }
0x37: {  	[smem:$0x3FB9] =	sst s10  }
0x38: {  	s10 =	sld [smem:$0x3FBA]  }
0x39: {  	_ = 	snop;
	(pc) =	sbr.ind lr, $3  }
0x3a: {  	_ = 	snop  }
0x3b: {  	_ = 	snop  }
0x3c: {  	p2 =	seq.s32 s10, $0x1;
	s10 =	sld [smem:$0x3FB9]  }
0x3d: {  	_ =	shalt  }
0x3e: {  	_ =	shalt  }
0x3f: {  	_ =	shalt  }
0x40: {  	_ =	shalt  }
0x41: {  	_ =	shalt  }
0x42: {  	_ =	shalt  }
0x43: {  	_ =	shalt  }
0x44: {  	_ =	shalt  }
0x45: {  	_ =	shalt  }
0x46: {  	_ =	shalt  }
0x47: {  	_ =	shalt  }
0x48: {  	_ =	shalt  }
0x49: {  	_ =	shalt  }
0x4a: {  	_ =	shalt  }
0x4b: {  	_ =	shalt  }
0x4c: {  	_ =	shalt  }
0x4d: {  	_ =	shalt  }
0x4e: {  	_ =	shalt  }
0x4f: {  	_ =	shalt  }
0x50: {  	_ =	shalt  }
0x51: {  	_ =	shalt  }
0x52: {  	_ =	shalt  }
0x53: {  	_ =	shalt  }
0x54: {  	_ =	shalt  }
0x55: {  	_ =	shalt  }
0x56: {  	_ =	shalt  }
0x57: {  	_ =	shalt  }
0x58: {  	_ =	shalt  }
0x59: {  	_ =	shalt  }
0x5a: {  	_ =	shalt  }
0x5b: {  	_ =	shalt  }
0x5c: {  	_ =	shalt  }
0x5d: {  	_ =	shalt  }
0x5e: {  	_ =	shalt  }
0x5f: {  	_ =	shalt  }
0x60: {  	_ =	shalt  }
0x61: {  	_ =	shalt  }
0x62: {  	_ =	shalt  }
0x63: {  	_ =	shalt  }
0x64: {  	_ =	shalt  }
0x65: {  	_ =	shalt  }
0x66: {  	_ =	shalt  }
0x67: {  	_ =	shalt  }
0x68: {  	_ =	shalt  }
0x69: {  	_ =	shalt  }
0x6a: {  	_ =	shalt  }
0x6b: {  	_ =	shalt  }
0x6c: {  	_ =	shalt  }
0x6d: {  	_ =	shalt  }
0x6e: {  	_ =	shalt  }
0x6f: {  	_ =	shalt  }
0x70: {  	_ =	shalt  }
0x71: {  	_ =	shalt  }
0x72: {  	_ =	shalt  }
0x73: {  	_ =	shalt  }
0x74: {  	_ =	shalt  }
0x75: {  	_ =	shalt  }
0x76: {  	_ =	shalt  }
0x77: {  	_ =	shalt  }
0x78: {  	_ =	shalt  }
0x79: {  	_ =	shalt  }
0x7a: {  	_ =	shalt  }
0x7b: {  	_ =	shalt  }
0x7c: {  	_ =	shalt  }
0x7d: {  	_ =	shalt  }
0x7e: {  	_ =	shalt  }
0x7f: {  	_ =	shalt  }
0x80: {  	_ =	shalt  }
0x81: {  	_ =	shalt  }
0x82: {  	_ =	shalt  }
0x83: {  	_ =	shalt  }
0x84: {  	_ =	shalt  }
0x85: {  	_ =	shalt  }
0x86: {  	_ =	shalt  }
0x87: {  	_ =	shalt  }
.Lfunc_end0:
.L_simem_size_0:
called_computation_lowered:
.L_overlay_start_0:
0x88: {  	s2 =	sld [smem:$0x3FD9]  }
0x89: {  	s3 =	sld [smem:$0x3FFE];
	_ =	sdelay $0x1  }
0x8a: {  	s1 =	srdreg.scid  }
0x8b: {  	s0 =	sand.u32 $0x1, s1  }
0x8c: {  	s17 =	sshll.u32 s0, $0xA;
	s2 =	sadd.s32 s3, s2  }
0x8d: {  	s2 =	sadd.s32 s2, s17  }
0x8e: {  	[smem:$0x3FC5] =	sst s2  }
0x8f: {  	_ = 	snop  }
0x90: {  	s2 =	sld [smem:$0x3FD0];
	(tm) =	ssettm $0x1  }
0x91: {  	s18 =	sld [smem:$0x3FFB];
	_ =	sdelay $0x3  }
0x92: {  	_ =	strace s18  }
0x93: {  	s3 =	sld [smem:$0x3FFC];
	_ =	sdelay $0x3  }
0x94: {  	_ =	strace s3  }
0x95: {  	s3 =	sld [smem:$0x3FFD];
	_ =	sdelay $0x3  }
0x96: {  	_ =	strace s3  }
0x97: {  	_ =	strace $0x8FFFFFFF  }
0x98: {  	s19 =	sld [smem:$0x3FDB];
	_ =	sdelay $0x1  }
0x99: {  	s4 =	simm.s32 $_scs_section_size  }
0x9a: {  	s5 =	simm.s32 $_size__tile_overlayer_lowered;
	s6 =	simm.s32 $_tile_overlayer_lowered  }
0x9b: {  	s22 =	simm.s32 $0x1BFF;
	s21 =	sshll.u32 s6, $0x1;
	s3 =	sadd.s32 s4, s19  }
0x9c: {  	s7 =	simm.s32 $0x0;
	s20 =	sshll.u32 s5, $0x1;
	s5 =	sadd.s32 s21, s3  }
0x9d: {  	[timem:s7], [sflag:s22] =	dma.local [hbm:s5], s20  }
0x9e: {  	_ =	swait.ge [sflag:s22], s20  }
0x9f: {  	s4 =	ssub.s32 $0x0, s20;
	[sflag:s22] =	ssyncset.done $0x0  }
0xa0: {  	[sflag:s22] =	ssyncadd.s32 s4;
	_ =	sdelay $0x1  }
0xa1: {  	s23 =	simm.s32 $0x1B8B  }
0xa2: {  	_ =	swait.ge [sflag:s23], $0x1  }
0xa3: {  	[sflag:s23] =	ssyncset.done $0x0  }
0xa4: {  	s25 =	simm.s32 $0x1B8E;
	s24 =	sld [smem:$0x3FFE];
	[sflag:s23] =	ssyncadd.s32 $0xFFFFFFFF  }
0xa5: {  	s26 =	simm.s32 $execute0_lowered;
	[smem:$0x3FD2] =	sst s25  }
0xa6: {  	s5 =	sshll.u32 s26, $0x1;
	_ =	strace $0x80000046;
	[dreg:$0x1] =	wrdreg $0xFFFFFFFF  }
0xa7: {  	s28 =	simm.s32 $_size_execute0_lowered;
	s3 =	sadd.s32 s3, s5;
	[dreg:$0x0] =	wrdreg $0x0  }
0xa8: {  	s5 =	sshll.u32 s28, $0x1;
	[dreg:$0x2] =	wrdreg s3  }
0xa9: {  	[dreg:$0x3] =	wrdreg s5  }
0xaa: {  	[dreg:$0x4] =	wrdreg $0xC0  }
0xab: {  	_ =	task [dreg:s7], $0x5FFFF  }
0xac: {  	[dreg:$0x1] =	wrdreg $0xFFFFFFFF  }
0xad: {  	[dreg:$0x0] =	wrdreg $0x60  }
0xae: {  	[dreg:$0x2] =	wrdreg s24  }
0xaf: {  	[dreg:$0x3] =	wrdreg s2  }
0xb0: {  	[dreg:$0x4] =	wrdreg $0x9  }
0xb1: {  	_ =	task.clear_ibuf [dreg:s7], $0x5FFFF;
	_ =	strace $0x90000046  }
0xb2: {  	s29 =	simm.s32 $0x9;
	_ =	strace $0x80000048  }
0xb3: {  	_ =	swait.ge [sflag:s29], $0x1  }
0xb4: {  	[sflag:s29] =	ssyncadd.s32 $0xFFFFFFFF  }
0xb5: {  	_ =	strace $0x90000048  }
0xb6: {  	_ =	sfence  }
0xb7: {  	s30 =	sld [smem:$0x0];
	_ =	sdelay $0x2  }
0xb8: {  	s31 =	sshll.u32 s1, $0xD;
	s1 =	sshrl.u32 s1, $0x2  }
0xb9: {  	s3 =	sand.u32 $0x4000, s31;
	s1 =	sadd.s32 s1, s30  }
0xba: {  	s0 =	sor.u32 s3, s0;
	s1 =	sshll.u32 s1, $0x11  }
0xbb: {  	s0 =	sor.u32 s1, s0  }
0xbc: {  	s0 =	sadd.s32 $0x8F2B, s0  }
0xbd: {  	[sflag:s0] =	ssyncadd.remote.s32 $0x1  }
0xbe: {  	_ =	sfence.sel $0xFFFF  }
0xbf: {  	[dreg:$0x0] =	wrdreg $0xFFFFFFFF;
	(pc) =	sbr.abs _section_cstart, $3  }
0xc0: {  	[dreg:$0x1] =	wrdreg $0xFFFFFFFF  }
0xc1: {  	_ =	task.clear_ibuf [dreg:s7], $0x2FFFF;
	_ =	strace $0x9FFFFFFF  }
0xc2: {  	(tm) =	ssettm $0x7FFFFFFF  }
0xc3: {  	_ =	shalt  }
tec
execute0_lowered:
.L_overlay_start_1:
0x0: {  	(tag) =	ssettag $0x1  }
0x1: {  	s3 =	rddreg [dreg:$0x0]  }
0x2: {  	s5 =	rddreg [dreg:$0x1];
	s2 =	simm.s32 $0x0;
	v8 =	vlaneseq.u32  }
0x3: {  	s0 =	srdreg.scid;
	[smem:$0x7FF] =	sst s2;
	v0 =	vor.u32 $0x30, v8  }
0x4: {  	s4 =	sand.u32 $0x1, s0;
	s0 =	rddreg [dreg:$0x2];
	v2 =	vor.u32 $0xFFFFFFF0, v8;
	_ =	strace $0x80000047;
	[tilespmem:$0x1FF60] =	vst v0  }
0x5: {  	v19 =	vor.u32 $0xC50, v8;
	[tilespmem:$0x1FF70] =	vst v2  }
0x6: {  	s1 =	stileid.u32;
	s9 =	simm.s32 $0x400;
	s10 =	simm.s32 $0x1000;
	v20 =	vor.u32 $0xC70, v8;
	[tilespmem:$0x1FF80] =	vst v19  }
0x7: {  	s11 =	simm.s32 $0x28E0;
	s12 =	simm.s32 $0x1;
	s13 =	simm.s32 $0x2;
	v56 =	vor.u32 $0xFFFFFFE0, v8;
	[tilespmem:$0x1FF90] =	vst v20  }
0x8: {  	s14 =	simm.s32 $0x3;
	s15 =	simm.s32 $0x1C80;
	s16 =	simm.s32 $0x38E0;
	v61 =	vor.u32 $0xC60, v8;
	[tilespmem:$0x1FFA0] =	vst v56  }
0x9: {  	s6 =	sshll.u32 s1, $0x3;
	v55 =	vor.u32 $0x10, v8;
	s7 =	sshll.u32 s4, $0x2;
	s4 =	ssub.s32 $0x2, s4;
	[tilespmem:$0x1FFB0] =	vst v61  }
0xa: {  	s17 =	simm.s32 $0x4;
	v53 =	vor.u32 $0x70, v8;
	[tilespmem:$0x1FFC0] =	vst v55;
	s6 =	sor.u32 s7, s6;
	s31 =	sshrl.u32 s4, $0x1  }
0xb: {  	s18 =	simm.s32 $0x0;
	v11 =	vor.u32 $0xC40, v8;
	[tilespmem:$0x1FFD0] =	vst v53;
	s7 =	sadd.s32 s6, s3;
	s8 =	ssub.s32 s4, s31  }
0xc: {  	v12 =	vor.u32 $0x60, v8;
	[tilespmem:$0x1FFE0] =	vst v11;
	s5 =	sadd.s32 s5, s6;
	s3 =	sadd.s32 $0x800, s7;
	s4 =	sadd.s32 $0x3A00, s7  }
0xd: {  	v34 =	vimm.s32 $0x0;
	v7 =	vor.u32 $0x20, v8;
	[tilespmem:$0x1FFF0] =	vst v12;
	s6 =	sadd.s32 $0x6C00, s7;
	s7 =	smax.u32 s8, $0x1;
	s8 =	simm.s32 $0x20  }
.LBB2_1:
0xe: {  	[tilespmem:s2], [sflag:$0x1] =	stream.strided.gather [hbm4b:s3+s8], $0xC80, s9, s8, $0x38;
	[tilespmem:$0x48E0] =	vst v63  }
0xf: {  	_ = 	snop  }
0x10: {  	[tilespmem:s10], [sflag:$0x2] =	stream.strided.gather [hbm4b:s4+s8], $0xC80, s9, s8, $0x38;
	[tilespmem:$0x48E0] =	vst v63  }
0x11: {  	_ = 	snop  }
0x12: {  	v0 =	vimm.f32 $+Inf;
	[tilespmem:s11], [sflag:$0x3] =	stream.strided.gather [hbm4b:s5+s8], $0x1000, s9, s8, $0x38;
	[tilespmem:$0x48E0] =	vst v63  }
0x13: {  	[tilespmem:$0xC80] =	vst v0  }
0x14: {  	[tilespmem:$0xC90] =	vst v0  }
0x15: {  	[tilespmem:$0xCA0] =	vst v0  }
0x16: {  	[tilespmem:$0xCB0] =	vst v0  }
0x17: {  	[tilespmem:$0xCC0] =	vst v0  }
0x18: {  	[tilespmem:$0xCD0] =	vst v0  }
0x19: {  	[tilespmem:$0xCE0] =	vst v0  }
0x1a: {  	[tilespmem:$0xCF0] =	vst v0  }
0x1b: {  	[tilespmem:$0xD00] =	vst v0  }
0x1c: {  	[tilespmem:$0xD10] =	vst v0  }
0x1d: {  	[tilespmem:$0xD20] =	vst v0  }
0x1e: {  	[tilespmem:$0xD30] =	vst v0  }
0x1f: {  	[tilespmem:$0xD40] =	vst v0  }
0x20: {  	[tilespmem:$0xD50] =	vst v0  }
0x21: {  	[tilespmem:$0xD60] =	vst v0  }
0x22: {  	[tilespmem:$0xD70] =	vst v0  }
0x23: {  	[tilespmem:$0xD80] =	vst v0  }
0x24: {  	[tilespmem:$0xD90] =	vst v0  }
0x25: {  	[tilespmem:$0xDA0] =	vst v0  }
0x26: {  	[tilespmem:$0xDB0] =	vst v0  }
0x27: {  	[tilespmem:$0xDC0] =	vst v0  }
0x28: {  	[tilespmem:$0xDD0] =	vst v0  }
0x29: {  	[tilespmem:$0xDE0] =	vst v0  }
0x2a: {  	[tilespmem:$0xDF0] =	vst v0  }
0x2b: {  	[tilespmem:$0xE00] =	vst v0  }
0x2c: {  	[tilespmem:$0xE10] =	vst v0  }
0x2d: {  	[tilespmem:$0xE20] =	vst v0  }
0x2e: {  	[tilespmem:$0xE30] =	vst v0  }
0x2f: {  	[tilespmem:$0xE40] =	vst v0  }
0x30: {  	[tilespmem:$0xE50] =	vst v0  }
0x31: {  	[tilespmem:$0xE60] =	vst v0  }
0x32: {  	[tilespmem:$0xE70] =	vst v0  }
0x33: {  	[tilespmem:$0xE80] =	vst v0  }
0x34: {  	[tilespmem:$0xE90] =	vst v0  }
0x35: {  	[tilespmem:$0xEA0] =	vst v0  }
0x36: {  	[tilespmem:$0xEB0] =	vst v0  }
0x37: {  	[tilespmem:$0xEC0] =	vst v0  }
0x38: {  	[tilespmem:$0xED0] =	vst v0  }
0x39: {  	[tilespmem:$0xEE0] =	vst v0  }
0x3a: {  	[tilespmem:$0xEF0] =	vst v0  }
0x3b: {  	[tilespmem:$0xF00] =	vst v0  }
0x3c: {  	[tilespmem:$0xF10] =	vst v0  }
0x3d: {  	[tilespmem:$0xF20] =	vst v0  }
0x3e: {  	[tilespmem:$0xF30] =	vst v0  }
0x3f: {  	[tilespmem:$0xF40] =	vst v0  }
0x40: {  	[tilespmem:$0xF50] =	vst v0  }
0x41: {  	[tilespmem:$0xF60] =	vst v0  }
0x42: {  	[tilespmem:$0xF70] =	vst v0  }
0x43: {  	[tilespmem:$0xF80] =	vst v0  }
0x44: {  	[tilespmem:$0xF90] =	vst v0  }
0x45: {  	[tilespmem:$0xFA0] =	vst v0  }
0x46: {  	[tilespmem:$0xFB0] =	vst v0  }
0x47: {  	[tilespmem:$0xFC0] =	vst v0  }
0x48: {  	[tilespmem:$0xFD0] =	vst v0  }
0x49: {  	[tilespmem:$0xFE0] =	vst v0  }
0x4a: {  	[tilespmem:$0xFF0] =	vst v0  }
0x4b: {  	_ =	swait.ge [sflag:s12], $0xC80  }
0x4c: {  	[sflag:s12] =	ssyncset.done $0x0  }
0x4d: {  	[sflag:s12] =	ssyncadd.s32 $0xFFFFF380  }
0x4e: {  	_ =	swait.ge [sflag:s13], $0xC80  }
0x4f: {  	[sflag:s13] =	ssyncset.done $0x0  }
0x50: {  	s21 =	simm.s32 $0x50;
	[sflag:s13] =	ssyncadd.s32 $0xFFFFF380  }
0x51: {  	v0 =	vld [tilespmem:s21+$0x10]  }
0x52: {  	v1 =	vld [tilespmem:s21+$0x30]  }
0x53: {  	v3 =	vld [tilespmem:s21+$0xFFFFFFB0]  }
0x54: {  	v4 =	vld [tilespmem:s21+$0xFFFFFFD0];
	_ =	sdelay $0x2  }
0x55: {  	v1 =	vsub.f32 v1, v0;
	_ =	sdelay $0x1  }
0x56: {  	s23 =	simm.s32 $0x1050;
	v3 =	vsub.f32 v4, v3;
	(erf) = vrcp.f32 v1  }
0x57: {  	v5 =	vld [tilespmem:s23+$0x10]  }
0x58: {  	v6 =	vld [tilespmem:s23+$0xFFFFFFD0];
	(erf) = vrcp.f32 v3  }
0x59: {  	v3 =	vld [tilespmem:s23+$0x30]  }
0x5a: {  	v1 =	vld [tilespmem:s21+$0xFFFFFFF0]  }
0x5b: {  	v14 =	vld [tilespmem:s23+$0xFFFFFFB0];
	_ =	sdelay $0x2  }
0x5c: {  	v3 =	vsub.f32 v3, v5  }
0x5d: {  	v4 =	vsub.f32 v1, v4;
	v15 =	vpop (erf)  }
0x5e: {  	s20 =	simm.s32 $0xD0;
	v14 =	vsub.f32 v6, v14;
	v3 =	vmul.f32 v15, v3  }
0x5f: {  	s19 =	simm.s32 $0x1CC0;
	v16 =	vld [tilespmem:s20+$0x30];
	v0 =	vsub.f32 v0, v1;
	(erf) = vrcp.f32 v4;
	v1 =	vpop (erf)  }
0x60: {  	v4 =	vld [tilespmem:s23+$0xFFFFFFF0];
	v1 =	vmul.f32 v1, v14;
	[tilespmem:s19+$0x20] =	vst v3  }
0x61: {  	(erf) = vrcp.f32 v0;
	v0 =	vld [tilespmem:s21+$0x20]  }
0x62: {  	v3 =	vld [tilespmem:s21+$0x40];
	[tilespmem:s19+$0xFFFFFFC0] =	vst v1  }
0x63: {  	v1 =	vld [tilespmem:s21+$0xFFFFFFC0]  }
0x64: {  	v14 =	vld [tilespmem:s21+$0xFFFFFFE0]  }
0x65: {  	v15 =	vld [tilespmem:s20+$0x10]  }
0x66: {  	v6 =	vsub.f32 v4, v6  }
0x67: {  	v17 =	vld [tilespmem:s20+$0xFFFFFFB0]  }
0x68: {  	v19 =	vld [tilespmem:s20+$0xFFFFFFD0];
	v18 =	vpop (erf);
	v0 =	vsub.f32 v3, v0  }
0x69: {  	v4 =	vsub.f32 v5, v4;
	v5 =	vmul.f32 v18, v6;
	v3 =	vld [tilespmem:s20+$0xFFFFFFF0];
	v1 =	vsub.f32 v14, v1  }
0x6a: {  	v6 =	vpop (erf);
	v14 =	vld [tilespmem:s23+$0x20];
	(erf) = vrcp.f32 v0;
	v0 =	vsub.f32 v16, v15  }
0x6b: {  	v4 =	vmul.f32 v6, v4;
	[tilespmem:s19+$0xFFFFFFE0] =	vst v5;
	v5 =	vld [tilespmem:s23+$0x40];
	(erf) = vrcp.f32 v1  }
0x6c: {  	v1 =	vld [tilespmem:s21+$0xFFFFFFE0];
	(erf) = vrcp.f32 v0  }
0x6d: {  	s22 =	simm.s32 $0x10D0;
	[tilespmem:s19+$0x0] =	vst v4;
	v4 =	vsub.f32 v19, v17;
	v0 =	vld [tilespmem:s21+$0x0]  }
0x6e: {  	v17 =	vld [tilespmem:s22+$0x10];
	v16 =	vsub.f32 v3, v19  }
0x6f: {  	v3 =	vsub.f32 v15, v3;
	(erf) = vrcp.f32 v4;
	v4 =	vld [tilespmem:s22+$0x30]  }
0x70: {  	v15 =	vld [tilespmem:s22+$0xFFFFFFD0];
	(erf) = vrcp.f32 v16  }
0x71: {  	(erf) = vrcp.f32 v3;
	v3 =	vld [tilespmem:s22+$0xFFFFFFF0]  }
0x72: {  	v6 =	vld [tilespmem:s21+$0x0];
	v0 =	vsub.f32 v0, v1  }
0x73: {  	v1 =	vld [tilespmem:s22+$0xFFFFFFB0];
	v16 =	vpop (erf)  }
0x74: {  	v18 =	vld [tilespmem:s21+$0x20];
	v5 =	vsub.f32 v5, v14;
	v19 =	vpop (erf);
	(erf) = vrcp.f32 v0;
	v0 =	vsub.f32 v4, v17  }
0x75: {  	v20 =	vld [tilespmem:s23+$0xFFFFFFC0];
	v4 =	vpop (erf)  }
0x76: {  	v21 =	vld [tilespmem:s23+$0xFFFFFFE0];
	v0 =	vmul.f32 v4, v0;
	v4 =	vmul.f32 v16, v5;
	v5 =	vsub.f32 v3, v15  }
0x77: {  	v22 =	vld [tilespmem:s23+$0x0]  }
0x78: {  	s21 =	simm.s32 $0x1D40;
	v14 =	vld [tilespmem:s23+$0xFFFFFFE0];
	v1 =	vsub.f32 v15, v1;
	v15 =	vpop (erf)  }
0x79: {  	v6 =	vsub.f32 v18, v6;
	v16 =	vsub.f32 v17, v3;
	[tilespmem:s21+$0x20] =	vst v0;
	v0 =	vld [tilespmem:s23+$0x0];
	v17 =	vpop (erf)  }
0x7a: {  	v1 =	vmul.f32 v15, v1;
	v3 =	vld [tilespmem:s20+$0x20];
	v15 =	vmul.f32 v17, v5;
	v5 =	vpop (erf)  }
0x7b: {  	(erf) = vrcp.f32 v6;
	[tilespmem:s19+$0x30] =	vst v4;
	v4 =	vld [tilespmem:s20+$0x40];
	v17 =	vmul.f32 v5, v16;
	v16 =	vsub.f32 v21, v20  }
0x7c: {  	[tilespmem:s21+$0xFFFFFFC0] =	vst v1;
	v1 =	vld [tilespmem:s23+$0x20]  }
0x7d: {  	v14 =	vsub.f32 v22, v14;
	v5 =	vld [tilespmem:s20+$0xFFFFFFC0];
	[tilespmem:s21+$0xFFFFFFE0] =	vst v15;
	v6 =	vmul.f32 v19, v16  }
0x7e: {  	s24 =	simm.s32 $0x4;
	s25 =	simm.s32 $0x150;
	s23 =	simm.s32 $0x10D0;
	v15 =	vpop (erf);
	v16 =	vld [tilespmem:s20+$0xFFFFFFE0];
	[tilespmem:s21+$0x0] =	vst v17  }
.LBB2_2:
0x7f: {  	v17 =	vld [tilespmem:s25+$0x10];
	[tilespmem:s19+$0xFFFFFFD0] =	vst v6;
	v6 =	vmul.f32 v15, v14  }
0x80: {  	v14 =	vld [tilespmem:s25+$0x30];
	v3 =	vsub.f32 v4, v3  }
0x81: {  	s24 =	sadd.s32 $0x4, s24;
	v4 =	vld [tilespmem:s25+$0xFFFFFFB0];
	[tilespmem:s19+$0xFFFFFFF0] =	vst v6;
	v0 =	vsub.f32 v1, v0  }
0x82: {  	p0 =	slt.u32 s24, $0x5C;
	v1 =	vld [tilespmem:s25+$0xFFFFFFD0];
	(erf) = vrcp.f32 v3  }
0x83: {  	v3 =	vld [tilespmem:s25+$0xFFFFFFF0];
	v5 =	vsub.f32 v16, v5  }
0x84: {  	v6 =	vld [tilespmem:s22+$0x20];
	v15 =	vpop (erf)  }
0x85: {  	v14 =	vsub.f32 v14, v17;
	v16 =	vld [tilespmem:s22+$0x40];
	(erf) = vrcp.f32 v5;
	v0 =	vmul.f32 v15, v0  }
0x86: {  	v5 =	vld [tilespmem:s20+$0xFFFFFFE0]  }
0x87: {  	v4 =	vsub.f32 v1, v4;
	(erf) = vrcp.f32 v14;
	v14 =	vld [tilespmem:s20+$0x0];
	[tilespmem:s19+$0x10] =	vst v0;
	s19 =	smov.u32 s21  }
0x88: {  	s22 =	sadd.s32 $0x80, s22;
	v0 =	vsub.f32 v3, v1;
	v2 =	vsub.f32 v17, v3;
	v3 =	vld [tilespmem:s20+$0x0]  }
0x89: {  	v15 =	vld [tilespmem:s22+$0x10];
	(erf) = vrcp.f32 v4  }
0x8a: {  	v4 =	vld [tilespmem:s22+$0x30];
	(erf) = vrcp.f32 v0;
	v0 =	vsub.f32 v16, v6  }
0x8b: {  	v6 =	vld [tilespmem:s22+$0xFFFFFFD0];
	(erf) = vrcp.f32 v2;
	v1 =	vpop (erf)  }
0x8c: {  	v16 =	vld [tilespmem:s22+$0xFFFFFFF0];
	v5 =	vsub.f32 v14, v5;
	v0 =	vmul.f32 v1, v0  }
0x8d: {  	v1 =	vld [tilespmem:s22+$0xFFFFFFB0]  }
0x8e: {  	v14 =	vld [tilespmem:s20+$0x20];
	[tilespmem:s21+$0x30] =	vst v0;
	v17 =	vpop (erf);
	(erf) = vrcp.f32 v5;
	s20 =	smov.u32 s25  }
0x8f: {  	v0 =	vsub.f32 v4, v15;
	v5 =	vld [tilespmem:s23+$0xFFFFFFC0]  }
0x90: {  	v4 =	vpop (erf);
	v18 =	vld [tilespmem:s23+$0xFFFFFFE0]  }
0x91: {  	v19 =	vsub.f32 v16, v6;
	v15 =	vsub.f32 v15, v16;
	v0 =	vmul.f32 v4, v0;
	v16 =	vld [tilespmem:s23+$0xFFFFFFE0]  }
0x92: {  	s21 =	sadd.s32 $0x80, s21;
	v1 =	vsub.f32 v6, v1;
	v4 =	vpop (erf);
	v20 =	vld [tilespmem:s23+$0x0]  }
0x93: {  	[tilespmem:s21+$0x20] =	vst v0;
	v6 =	vpop (erf);
	v0 =	vld [tilespmem:s23+$0x0];
	v14 =	vsub.f32 v14, v3  }
.Ltmp0:
0x94: {  	v1 =	vmul.f32 v4, v1;
	v6 =	vmul.f32 v6, v19;
	v3 =	vld [tilespmem:s25+$0x20];
	v4 =	vpop (erf);
	(pc) =	sbr.rel @p0 .LBB2_2-.Ltmp0, $4  }
0x95: {  	v19 =	vmul.f32 v4, v15;
	v4 =	vld [tilespmem:s25+$0x40];
	v2 =	vsub.f32 v18, v5;
	(erf) = vrcp.f32 v14  }
0x96: {  	[tilespmem:s21+$0xFFFFFFC0] =	vst v1;
	v1 =	vld [tilespmem:s23+$0x20];
	s23 =	smov.u32 s22  }
0x97: {  	v5 =	vld [tilespmem:s25+$0xFFFFFFC0];
	[tilespmem:s21+$0xFFFFFFE0] =	vst v6;
	v6 =	vmul.f32 v17, v2;
	v14 =	vsub.f32 v20, v16;
	v15 =	vpop (erf)  }
0x98: {  	s25 =	sadd.s32 $0x80, s25;
	v16 =	vld [tilespmem:s20+$0xFFFFFFE0];
	[tilespmem:s21+$0x0] =	vst v19  }
0x99: {  	v17 =	vld [tilespmem:s20+$0xFFFFFFE0]  }
0x9a: {  	v18 =	vld [tilespmem:s20+$0x0]  }
0x9b: {  	v19 =	vld [tilespmem:s20+$0x0]  }
0x9c: {  	v20 =	vld [tilespmem:s20+$0x20];
	_ =	sdelay $0x1  }
0x9d: {  	v3 =	vsub.f32 v4, v3  }
0x9e: {  	v46 =	vld [tilespmem:s22+$0x40];
	v4 =	vsub.f32 v16, v5  }
0x9f: {  	v49 =	vld [tilespmem:s23+$0xFFFFFFE0];
	(erf) = vrcp.f32 v3;
	v47 =	vsub.f32 v18, v17  }
0xa0: {  	v50 =	vld [tilespmem:s23+$0xFFFFFFE0];
	v48 =	vsub.f32 v20, v19;
	(erf) = vrcp.f32 v4  }
0xa1: {  	v51 =	vld [tilespmem:s23+$0x0];
	(erf) = vrcp.f32 v47  }
0xa2: {  	v5 =	vld [tilespmem:s22+$0x20];
	(erf) = vrcp.f32 v48  }
0xa3: {  	v4 =	vld [tilespmem:s23+$0xFFFFFFC0]  }
0xa4: {  	v52 =	vld [tilespmem:s23+$0x0]  }
0xa5: {  	v54 =	vld [tilespmem:s23+$0x20]  }
0xa6: {  	v0 =	vsub.f32 v1, v0  }
0xa7: {  	v14 =	vmul.f32 v15, v14;
	v57 =	vpop (erf);
	v3 =	vsub.f32 v46, v5  }
0xa8: {  	[tilespmem:s19+$0xFFFFFFD0] =	vst v6;
	v0 =	vmul.f32 v57, v0;
	v58 =	vsub.f32 v49, v4;
	v5 =	vpop (erf)  }
0xa9: {  	[tilespmem:s19+$0xFFFFFFF0] =	vst v14;
	v3 =	vmul.f32 v5, v3;
	v5 =	vsub.f32 v51, v50;
	v4 =	vpop (erf)  }
0xaa: {  	[tilespmem:s19+$0x10] =	vst v0;
	v59 =	vmul.f32 v4, v58;
	v60 =	vpop (erf);
	v4 =	vsub.f32 v54, v52  }
0xab: {  	[tilespmem:s21+$0x30] =	vst v3;
	v1 =	vmul.f32 v60, v5;
	v62 =	vpop (erf)  }
0xac: {  	[tilespmem:s21+$0xFFFFFFD0] =	vst v59;
	v63 =	vmul.f32 v62, v4  }
0xad: {  	[tilespmem:s21+$0xFFFFFFF0] =	vst v1  }
0xae: {  	s19 =	simm.s32 $0x0;
	[tilespmem:s21+$0x10] =	vst v63  }
.LBB2_4:
0xaf: {  	s20 =	sshra.s32 s19, $0x2  }
0xb0: {  	v0 =	vld [tilespmem:s20+$0xC00]  }
0xb1: {  	v1 =	vld [tilespmem:s20+$0xC20]  }
0xb2: {  	v3 =	vld [tilespmem:s20+$0xC10]  }
0xb3: {  	v4 =	vld [tilespmem:s20+$0xC30];
	_ =	sdelay $0x3  }
0xb4: {  	v0 =	vsub.f32 v1, v0  }
0xb5: {  	v57 =	vsub.f32 v4, v3  }
0xb6: {  	(erf) = vrcp.f32 v0  }
0xb7: {  	v58 =	vld [tilespmem:s20+$0x1C00];
	(erf) = vrcp.f32 v57  }
0xb8: {  	v59 =	vld [tilespmem:s20+$0x1C20]  }
0xb9: {  	v60 =	vld [tilespmem:s20+$0x1C10]  }
0xba: {  	v4 =	vld [tilespmem:s20+$0x1C30];
	_ =	sdelay $0x3  }
0xbb: {  	p0 =	sne.s32 s19, $0x100;
	v0 =	vsub.f32 v59, v58  }
.Ltmp1:
0xbc: {  	v3 =	vsub.f32 v4, v60;
	v62 =	vpop (erf);
	(pc) =	sbr.rel @p0 .LBB2_4-.Ltmp1, $4  }
0xbd: {  	v0 =	vmul.f32 v62, v0;
	v63 =	vpop (erf)  }
0xbe: {  	v1 =	vmul.f32 v63, v3  }
0xbf: {  	[tilespmem:s20+$0x2880] =	vst v0  }
0xc0: {  	s19 =	sadd.s32 $0x80, s19;
	[tilespmem:s20+$0x2890] =	vst v1  }
0xc1: {  	_ =	swait.ge [sflag:s14], $0x1000  }
0xc2: {  	[sflag:s14] =	ssyncset.done $0x0  }
0xc3: {  	[sflag:s14] =	ssyncadd.s32 $0xFFFFF000  }
0xc4: {  	v26 =	vld [tilespmem:$0x7E0]  }
0xc5: {  	v29 =	vld [tilespmem:$0x3E0]  }
0xc6: {  	v31 =	vld [tilespmem:$0xBE0]  }
0xc7: {  	v33 =	vld [tilespmem:$0x1E0]  }
0xc8: {  	v27 =	vld [tilespmem:$0x5E0]  }
0xc9: {  	v18 =	vld [tilespmem:$0xE0]  }
0xca: {  	v60 =	vld [tilespmem:$0x2E0]  }
0xcb: {  	v20 =	vld [tilespmem:$0x4E0]  }
0xcc: {  	v37 =	vld [tilespmem:$0x6E0]  }
0xcd: {  	v21 =	vld [tilespmem:$0x8E0]  }
0xce: {  	s21 =	simm.s32 $0x2900;
	v57 =	vld [tilespmem:$0xAE0]  }
0xcf: {  	v0 =	vld [tilespmem:s21+$0x0]  }
0xd0: {  	v25 =	vld [tilespmem:$0xEE0]  }
0xd1: {  	v36 =	vld [tilespmem:$0xCE0]  }
0xd2: {  	v23 =	vld [tilespmem:$0xDE0]  }
0xd3: {  	v24 =	vld [tilespmem:$0x9E0]  }
0xd4: {  	vm0 =	vle.f32 v26, v0  }
0xd5: {  	v1 =	vsel vm0, v25, v37  }
0xd6: {  	v3 =	vsel vm0, v57, v60;
	v4 =	vsel vm0, v36, v20;
	v5 =	vsel vm0, v21, v18  }
0xd7: {  	v6 =	vsel vm0, $0x40, v34;
	v14 =	vsel vm0, v31, v29;
	v15 =	vsel vm0, v23, v27  }
0xd8: {  	v16 =	vsel vm0, v24, v33;
	vm1 =	vle.f32 v14, v0;
	v47 =	vor.u32 $0x20, v6  }
0xd9: {  	v6 =	vsel vm1, v47, v6;
	v48 =	vsel vm1, v15, v16;
	v1 =	vsel vm1, v1, v3  }
0xda: {  	v4 =	vsel vm1, v4, v5;
	vm0 =	vle.f32 v48, v0;
	v3 =	vor.u32 $0x10, v6  }
0xdb: {  	v3 =	vsel vm0, v3, v6;
	v1 =	vsel vm0, v1, v4  }
0xdc: {  	vm0 =	vle.f32 v1, v0;
	v1 =	vor.u32 $0x8, v3  }
0xdd: {  	v1 =	vsel vm0, v1, v3  }
0xde: {  	v3 =	vshll.u32 v1, $0x5  }
0xdf: {  	v3 =	vadd.s32 v12, v3;
	_ =	sdelay $0x4  }
0xe0: {  	v3 =	vld.idx.msk [tilespmem:v3+s2+$0x0], $0xffff;
	_ =	sdelay $0x4  }
0xe1: {  	vm0 =	vle.f32 v3, v0;
	v3 =	vadd.s32 $0x4, v1  }
0xe2: {  	v1 =	vsel vm0, v3, v1  }
0xe3: {  	v3 =	vshll.u32 v1, $0x5  }
0xe4: {  	v3 =	vadd.s32 v7, v3;
	_ =	sdelay $0x4  }
0xe5: {  	v3 =	vld.idx.msk [tilespmem:v3+s2+$0x0], $0xffff;
	_ =	sdelay $0x4  }
0xe6: {  	vm0 =	vle.f32 v3, v0;
	v3 =	vadd.s32 $0x2, v1  }
0xe7: {  	v1 =	vsel vm0, v3, v1  }
0xe8: {  	s22 =	simm.s32 $0x2940;
	v3 =	vshll.u32 v1, $0x5  }
0xe9: {  	v47 =	vld [tilespmem:s22+$0x0];
	v3 =	vor.u32 v8, v3  }
0xea: {  	v45 =	vld [tilespmem:s21+$0xFFFFFFE0];
	_ =	sdelay $0x3  }
0xeb: {  	v51 =	vimm.s32 $0x0;
	vm3 =	vle.f32 v26, v47;
	v3 =	vld.idx.msk [tilespmem:v3+s2+$0x0], $0xffff  }
0xec: {  	v52 =	vsel vm3, v36, v20;
	v39 =	vsel vm3, v21, v18;
	vm0 =	vle.f32 v26, v45  }
0xed: {  	v4 =	vsel vm0, $0x40, v34;
	v5 =	vsel vm0, v31, v29;
	v6 =	vsel vm0, v23, v27  }
0xee: {  	v49 =	vsel vm0, v24, v33;
	v50 =	vsel vm0, v25, v37;
	v15 =	vsel vm0, v57, v60  }
0xef: {  	v16 =	vsel vm0, v36, v20;
	vm1 =	vle.f32 v5, v45;
	v5 =	vor.u32 $0x20, v4  }
0xf0: {  	v17 =	vsel vm0, v21, v18;
	v4 =	vsel vm1, v5, v4;
	vm2 =	vle.f32 v3, v0  }
0xf1: {  	v5 =	vsel vm1, v6, v49;
	v3 =	vsel vm1, v50, v15;
	v15 =	vsel vm2, $0x1, v34  }
0xf2: {  	v9 =	vld [tilespmem:$0x7F0];
	vm0 =	vle.f32 v5, v45;
	v5 =	vsel vm1, v16, v17;
	v1 =	vadd.s32 v15, v1  }
0xf3: {  	v13 =	vld [tilespmem:$0x3F0];
	v28 =	vsel vm3, $0x40, v51;
	v3 =	vsel vm0, v3, v5;
	v5 =	vshll.u32 v1, $0x5  }
0xf4: {  	v10 =	vld [tilespmem:$0xBF0];
	v40 =	vsel vm3, v31, v29;
	vm1 =	veq.s32 v1, $0x0;
	v5 =	vadd.s32 v56, v5  }
0xf5: {  	v30 =	vld [tilespmem:$0x5F0];
	v41 =	vsel vm3, v23, v27;
	vm2 =	veq.s32 v1, $0x64;
	v1 =	vsel vm1, v61, v5  }
0xf6: {  	v62 =	vld [tilespmem:$0x9F0];
	v42 =	vsel vm3, v24, v33;
	v6 =	vor.u32 $0x10, v4;
	vm1 =	vmor vm1, vm2  }
0xf7: {  	v35 =	vld [tilespmem:$0xDF0];
	v54 =	vor.u32 $0x20, v28;
	v4 =	vsel vm0, v6, v4;
	v5 =	vsel vm1, v11, v5  }
0xf8: {  	v2 =	vld [tilespmem:$0xF0];
	v6 =	vsel vm3, v57, v60;
	vm0 =	vle.f32 v3, v45;
	v3 =	vor.u32 $0x8, v4  }
0xf9: {  	v63 =	vld [tilespmem:$0xAF0];
	v3 =	vsel vm0, v3, v4;
	v4 =	vsel vm3, v25, v37;
	vm0 =	vle.f32 v40, v47  }
0xfa: {  	v40 =	vsel vm0, v54, v28;
	v41 =	vsel vm0, v41, v42;
	v4 =	vsel vm0, v4, v6;
	v43 =	vld.idx.msk [tilespmem:v1+s2+$0x0], $0xffff  }
0xfb: {  	v38 =	vld [tilespmem:$0xCF0];
	v34 =	vsel vm0, v52, v39;
	v6 =	vor.u32 $0x10, v40;
	vm1 =	vle.f32 v41, v47  }
0xfc: {  	v58 =	vshll.u32 v3, $0x5;
	v6 =	vsel vm1, v6, v40;
	v4 =	vsel vm1, v4, v34;
	v5 =	vld.idx.msk [tilespmem:v5+s15+$0x0], $0xffff  }
0xfd: {  	v14 =	vld [tilespmem:$0x4F0];
	v59 =	vadd.s32 v12, v58;
	vm0 =	vle.f32 v4, v47;
	v4 =	vor.u32 $0x8, v6  }
0xfe: {  	v4 =	vsel vm0, v4, v6;
	v1 =	vld.idx.msk [tilespmem:v1+s10+$0x0], $0xffff  }
0xff: {  	v32 =	vmov v7;
	v7 =	vld [tilespmem:$0x2F0];
	v6 =	vshll.u32 v4, $0x5;
	v0 =	vsub.f32 v0, v43  }
0x100: {  	v8 =	vld [tilespmem:$0x6F0];
	v6 =	vadd.s32 v12, v6  }
0x101: {  	v16 =	vld [tilespmem:$0x8F0];
	[tilespmem:$0x1FC80] =	vst v63;
	v0 =	vmul.f32 v0, v5  }
0x102: {  	v5 =	vld.idx.msk [tilespmem:v59+s2+$0x0], $0xffff  }
0x103: {  	v15 =	vld [tilespmem:$0x1F0];
	v0 =	vadd.f32 v0, v1  }
0x104: {  	s19 =	simm.s32 $0x3900;
	v43 =	vld [tilespmem:$0xEF0]  }
0x105: {  	v1 =	vld.idx.msk [tilespmem:v6+s2+$0x0], $0xffff;
	[tilespmem:s19+$0x0] =	vst v0  }
0x106: {  	v46 =	vld [tilespmem:s21+$0x10]  }
0x107: {  	v0 =	vadd.s32 $0x4, v3;
	vm0 =	vle.f32 v5, v45  }
0x108: {  	v0 =	vsel vm0, v0, v3  }
0x109: {  	v3 =	vshll.u32 v0, $0x5  }
0x10a: {  	vm0 =	vle.f32 v1, v47;
	v1 =	vadd.s32 $0x4, v4;
	v3 =	vadd.s32 v32, v3  }
0x10b: {  	v1 =	vsel vm0, v1, v4;
	vm1 =	vle.f32 v9, v46  }
0x10c: {  	v34 =	vimm.s32 $0x0;
	v54 =	vshll.u32 v1, $0x5;
	v5 =	vsel vm1, v43, v8  }
0x10d: {  	v6 =	vsel vm1, v63, v7;
	v48 =	vsel vm1, v38, v14;
	v44 =	vsel vm1, v10, v13  }
0x10e: {  	v49 =	vsel vm1, v35, v30;
	v50 =	vsel vm1, v16, v2;
	v51 =	vsel vm1, $0x40, v34  }
0x10f: {  	v41 =	vsel vm1, v62, v15;
	vm2 =	vle.f32 v44, v46;
	v52 =	vor.u32 $0x20, v51;
	v3 =	vld.idx.msk [tilespmem:v3+s2+$0x0], $0xffff  }
0x110: {  	v19 =	vld [tilespmem:s22+$0xFFFFFFE0];
	v5 =	vsel vm2, v5, v6;
	v6 =	vsel vm2, v49, v41;
	v52 =	vsel vm2, v52, v51  }
0x111: {  	vm1 =	vle.f32 v6, v46;
	v4 =	vor.u32 $0x10, v52;
	v6 =	vsel vm2, v48, v50  }
0x112: {  	v4 =	vsel vm1, v4, v52;
	v5 =	vsel vm1, v5, v6;
	v6 =	vadd.s32 v32, v54  }
0x113: {  	v58 =	vadd.s32 $0x2, v0;
	vm0 =	vle.f32 v5, v46;
	v5 =	vor.u32 $0x8, v4  }
0x114: {  	v28 =	vmovc v2;
	v2 =	vlaneseq.u32;
	vm1 =	vle.f32 v3, v45;
	v3 =	vsel vm0, v5, v4  }
0x115: {  	vm0 =	vle.f32 v26, v19;
	v0 =	vsel vm1, v58, v0;
	v4 =	vshll.u32 v3, $0x5  }
0x116: {  	v39 =	vmovc v12;
	v5 =	vsel vm0, $0x40, v34;
	v59 =	vsel vm0, v31, v29;
	v4 =	vadd.s32 v53, v4  }
0x117: {  	v12 =	vsel vm0, v23, v27;
	v41 =	vsel vm0, v24, v33;
	v54 =	vsel vm0, v21, v18;
	v6 =	vld.idx.msk [tilespmem:v6+s2+$0x0], $0xffff  }
0x118: {  	v40 =	vmovc v9;
	v63 =	vshll.u32 v0, $0x5;
	vm1 =	vle.f32 v59, v19;
	v9 =	vor.u32 $0x20, v5  }
0x119: {  	v59 =	vsel vm0, v25, v37;
	v5 =	vsel vm1, v9, v5;
	v48 =	vor.u32 v2, v63  }
0x11a: {  	v44 =	vsel vm1, v12, v41;
	v63 =	vsel vm0, v57, v60;
	v41 =	vsel vm0, v36, v20  }
0x11b: {  	v58 =	vor.u32 $0x10, v5;
	vm0 =	vle.f32 v44, v19;
	v44 =	vsel vm1, v59, v63;
	v4 =	vld.idx.msk [tilespmem:v4+s2+$0x0], $0xffff  }
0x11c: {  	v54 =	vsel vm1, v41, v54;
	vm1 =	vle.f32 v6, v47;
	v6 =	vadd.s32 $0x2, v1  }
0x11d: {  	v5 =	vsel vm0, v58, v5;
	v49 =	vsel vm0, v44, v54;
	v1 =	vsel vm1, v6, v1  }
0x11e: {  	v12 =	vmovc v20;
	v20 =	vld [tilespmem:$0x1FF60];
	vm0 =	vle.f32 v49, v19;
	v6 =	vor.u32 $0x8, v5;
	v58 =	vshll.u32 v1, $0x5  }
0x11f: {  	v5 =	vsel vm0, v6, v5;
	v6 =	vor.u32 v2, v58  }
0x120: {  	v48 =	vld.idx.msk [tilespmem:v48+s2+$0x0], $0xffff;
	v59 =	vshll.u32 v5, $0x5;
	vm0 =	vle.f32 v4, v46;
	v4 =	vadd.s32 $0x4, v3  }
0x121: {  	v49 =	vadd.s32 v39, v59;
	v3 =	vsel vm0, v4, v3  }
0x122: {  	v4 =	vshll.u32 v3, $0x5  }
0x123: {  	v4 =	vadd.s32 v20, v4  }
0x124: {  	v6 =	vld.idx.msk [tilespmem:v6+s2+$0x0], $0xffff  }
0x125: {  	vm0 =	vle.f32 v48, v45  }
0x126: {  	v48 =	vsel vm0, $0x1, v34;
	v49 =	vld.idx.msk [tilespmem:v49+s2+$0x0], $0xffff  }
0x127: {  	v22 =	vmov v11;
	v42 =	vmov v7;
	v0 =	vadd.s32 v48, v0  }
0x128: {  	v11 =	vmovc v8;
	v8 =	vmovc v21;
	v7 =	vmov v39;
	v21 =	vadd.s32 $0x4, v5;
	v39 =	vshll.u32 v0, $0x5;
	v4 =	vld.idx.msk [tilespmem:v4+s2+$0x0], $0xffff  }
0x129: {  	vm0 =	veq.s32 v0, $0x0;
	vm1 =	veq.s32 v0, $0x64;
	vm2 =	vle.f32 v6, v47  }
0x12a: {  	vm1 =	vmor vm0, vm1;
	v6 =	vadd.s32 v56, v39;
	v41 =	vsel vm2, $0x1, v34  }
0x12b: {  	v51 =	vsel vm0, v61, v6;
	vm0 =	vle.f32 v49, v19;
	v1 =	vadd.s32 v41, v1  }
0x12c: {  	v6 =	vsel vm1, v22, v6;
	v5 =	vsel vm0, v21, v5;
	v54 =	vshll.u32 v1, $0x5  }
0x12d: {  	s23 =	simm.s32 $0x2980;
	vm1 =	veq.s32 v1, $0x0;
	vm0 =	vle.f32 v4, v46;
	v4 =	vadd.s32 v56, v54  }
0x12e: {  	v44 =	vld [tilespmem:s23+$0x0];
	v58 =	vadd.s32 $0x2, v3;
	vm2 =	veq.s32 v1, $0x64;
	v1 =	vsel vm1, v61, v4  }
0x12f: {  	v3 =	vsel vm0, v58, v3;
	vm0 =	vmor vm1, vm2  }
0x130: {  	v4 =	vsel vm0, v22, v4;
	_ =	sdelay $0x1  }
0x131: {  	v9 =	vmov v53;
	v59 =	vshll.u32 v5, $0x5  }
0x132: {  	v17 =	vmovc v12;
	v49 =	vadd.s32 v32, v59;
	vm1 =	vle.f32 v26, v44;
	v48 =	vshll.u32 v3, $0x5;
	v58 =	vld.idx.msk [tilespmem:v1+s2+$0x0], $0xffff  }
0x133: {  	v21 =	vmovc v57;
	v50 =	vsel vm1, v25, v37;
	v52 =	vsel vm1, v57, v60;
	v53 =	vsel vm1, v36, v12  }
0x134: {  	v54 =	vsel vm1, v8, v18;
	v12 =	vsel vm1, v31, v29;
	v57 =	vsel vm1, v23, v27;
	v4 =	vld.idx.msk [tilespmem:v4+s15+$0x0], $0xffff  }
0x135: {  	v48 =	vor.u32 v55, v48;
	v55 =	vsel vm1, $0x40, v34;
	vm0 =	vle.f32 v12, v44  }
0x136: {  	v59 =	vsel vm1, v24, v33;
	v12 =	vor.u32 $0x20, v55;
	v50 =	vsel vm0, v50, v52;
	v1 =	vld.idx.msk [tilespmem:v1+s10+$0x0], $0xffff  }
0x137: {  	v52 =	vld.idx.msk [tilespmem:v51+s2+$0x0], $0xffff;
	v55 =	vsel vm0, v12, v55;
	v12 =	vsel vm0, v57, v59;
	v47 =	vsub.f32 v47, v58  }
0x138: {  	v53 =	vsel vm0, v53, v54;
	v49 =	vld.idx.msk [tilespmem:v49+s2+$0x0], $0xffff;
	vm1 =	vle.f32 v12, v44;
	v12 =	vor.u32 $0x10, v55  }
0x139: {  	v6 =	vld.idx.msk [tilespmem:v6+s15+$0x0], $0xffff;
	v12 =	vsel vm1, v12, v55;
	v50 =	vsel vm1, v50, v53;
	v4 =	vmul.f32 v47, v4  }
0x13a: {  	vm0 =	vle.f32 v50, v44;
	v55 =	vor.u32 $0x8, v12;
	v48 =	vld.idx.msk [tilespmem:v48+s2+$0x0], $0xffff  }
0x13b: {  	v57 =	vld.idx.msk [tilespmem:v51+s10+$0x0], $0xffff;
	v50 =	vsel vm0, v55, v12;
	v1 =	vadd.f32 v4, v1  }
0x13c: {  	s20 =	simm.s32 $0x3940;
	v0 =	vmovc v32;
	v39 =	vmov v56;
	v52 =	vsub.f32 v45, v52;
	v56 =	vshll.u32 v50, $0x5  }
0x13d: {  	v32 =	vmovc v18;
	v18 =	vld [tilespmem:s23+$0xFFFFFFE0];
	vm0 =	vle.f32 v49, v19;
	v58 =	vadd.s32 v7, v56;
	v4 =	vadd.s32 $0x2, v5;
	[tilespmem:s20+$0x0] =	vst v1  }
0x13e: {  	v6 =	vmul.f32 v52, v6;
	v1 =	vsel vm0, v4, v5;
	v45 =	vld [tilespmem:$0x1FF70]  }
0x13f: {  	v63 =	vlaneseq.u32;
	vm0 =	vle.f32 v48, v46;
	v49 =	vld [tilespmem:s22+$0x10];
	v5 =	vshll.u32 v1, $0x5  }
0x140: {  	v4 =	vadd.f32 v6, v57;
	v6 =	vsel vm0, $0x1, v34;
	v5 =	vor.u32 v63, v5;
	v63 =	vld [tilespmem:$0x1FF90]  }
0x141: {  	v2 =	vld [tilespmem:$0x1FC80];
	v3 =	vadd.s32 v6, v3  }
0x142: {  	v59 =	vld.idx.msk [tilespmem:v58+s2+$0x0], $0xffff;
	v12 =	vshll.u32 v3, $0x5  }
0x143: {  	vm0 =	vle.f32 v26, v18;
	v51 =	vadd.s32 v45, v12;
	v12 =	vld [tilespmem:$0x1FF80]  }
0x144: {  	v6 =	vsel vm0, $0x40, v34;
	vm1 =	veq.s32 v3, $0x0;
	vm2 =	veq.s32 v3, $0x64  }
0x145: {  	v3 =	vsel vm1, v63, v51;
	vm1 =	vmor vm1, vm2;
	vm2 =	vle.f32 v40, v49  }
0x146: {  	v48 =	vsel vm0, v31, v29;
	v47 =	vsel vm2, v43, v11;
	v52 =	vsel vm2, v2, v42  }
0x147: {  	v53 =	vsel vm2, v38, v14;
	v55 =	vsel vm2, v35, v30;
	v57 =	vsel vm2, $0x40, v34  }
0x148: {  	v51 =	vsel vm1, v12, v51;
	vm1 =	vle.f32 v59, v44;
	v59 =	vmovc v43;
	v43 =	vsel vm2, v10, v13  }
0x149: {  	[tilespmem:$0x1FE80] =	vst v40;
	v56 =	vsel vm2, v16, v28;
	v54 =	vor.u32 $0x20, v57;
	vm3 =	vle.f32 v43, v49  }
0x14a: {  	[tilespmem:$0x1FD20] =	vst v13;
	v43 =	vsel vm2, v62, v15;
	v47 =	vsel vm3, v47, v52;
	v52 =	vsel vm3, v54, v57  }
0x14b: {  	[tilespmem:$0x1FD30] =	vst v10;
	v57 =	vsel vm3, v55, v43;
	v53 =	vsel vm3, v53, v56;
	v43 =	vadd.s32 $0x4, v50  }
0x14c: {  	[tilespmem:$0x1FD60] =	vst v15;
	vm2 =	vle.f32 v57, v49;
	v58 =	vor.u32 $0x10, v52;
	v50 =	vsel vm1, v43, v50  }
0x14d: {  	[tilespmem:$0x1FCD0] =	vst v62;
	v43 =	vsel vm0, v24, v33;
	v52 =	vsel vm2, v58, v52;
	v47 =	vsel vm2, v47, v53  }
0x14e: {  	v41 =	vmovc v8;
	v8 =	vmovc v7;
	v58 =	vshll.u32 v50, $0x5;
	v53 =	vld.idx.msk [tilespmem:v3+s2+$0x0], $0xffff;
	vm1 =	vle.f32 v47, v49;
	v57 =	vor.u32 $0x8, v52  }
0x14f: {  	v5 =	vld.idx.msk [tilespmem:v5+s2+$0x0], $0xffff;
	vm2 =	vle.f32 v48, v18;
	v48 =	vadd.s32 v0, v58;
	v52 =	vsel vm1, v57, v52  }
0x150: {  	v7 =	vmovc v0;
	[tilespmem:s19+$0xFFFFFFE0] =	vst v4;
	v4 =	vor.u32 $0x20, v6;
	v54 =	vsel vm0, v23, v27;
	v51 =	vld.idx.msk [tilespmem:v51+s15+$0x0], $0xffff;
	v47 =	vshll.u32 v52, $0x5  }
0x151: {  	v55 =	vsel vm0, v21, v60;
	v3 =	vld.idx.msk [tilespmem:v3+s10+$0x0], $0xffff;
	v4 =	vsel vm2, v4, v6;
	v56 =	vadd.s32 v9, v47  }
0x152: {  	v6 =	vsel vm2, v54, v43;
	v54 =	vsel vm0, v25, v37;
	v0 =	vld [tilespmem:s21+$0xFFFFFFF0];
	v43 =	vmovc v32;
	v32 =	vsel vm0, v41, v32  }
0x153: {  	v57 =	vor.u32 $0x10, v4;
	v9 =	vmovc v41;
	v46 =	vsub.f32 v46, v53;
	v47 =	vmovc v21;
	v21 =	vsel vm0, v36, v17  }
0x154: {  	vm0 =	vle.f32 v6, v18;
	v6 =	vsel vm2, v54, v55;
	v58 =	vld.idx.msk [tilespmem:v48+s2+$0x0], $0xffff;
	v41 =	vsel vm2, v21, v32  }
0x155: {  	v4 =	vsel vm0, v57, v4;
	v46 =	vmul.f32 v46, v51;
	v6 =	vsel vm0, v6, v41  }
0x156: {  	vm0 =	vle.f32 v5, v19;
	vm1 =	vle.f32 v6, v18;
	v5 =	vld.idx.msk [tilespmem:v56+s2+$0x0], $0xffff;
	v6 =	vor.u32 $0x8, v4  }
0x157: {  	v21 =	vsel vm0, $0x1, v34;
	vm0 =	vle.f32 v40, v0;
	v3 =	vadd.f32 v46, v3  }
0x158: {  	v40 =	vlaneseq.u32;
	v4 =	vsel vm1, v6, v4;
	v1 =	vadd.s32 v21, v1  }
0x159: {  	v6 =	vadd.s32 $0x2, v50;
	[tilespmem:$0x1FF10] =	vst v3;
	v3 =	vshll.u32 v4, $0x5;
	vm1 =	vle.f32 v58, v44  }
0x15a: {  	v41 =	vsel vm0, $0x40, v34;
	v3 =	vadd.s32 v8, v3;
	v6 =	vsel vm1, v6, v50  }
0x15b: {  	v50 =	vshll.u32 v6, $0x5;
	vm1 =	vle.f32 v5, v49;
	v5 =	vadd.s32 $0x4, v52  }
0x15c: {  	v21 =	vsel vm0, v62, v15;
	v50 =	vor.u32 v40, v50;
	v5 =	vsel vm1, v5, v52  }
0x15d: {  	v55 =	vsel vm0, v59, v11;
	v32 =	vshll.u32 v1, $0x5;
	v52 =	vshll.u32 v5, $0x5  }
0x15e: {  	vm2 =	veq.s32 v1, $0x64;
	vm1 =	veq.s32 v1, $0x0;
	v1 =	vadd.s32 v20, v52  }
0x15f: {  	v48 =	vsel vm0, v16, v28;
	v58 =	vsel vm0, v10, v13;
	v13 =	vsel vm0, v35, v30  }
0x160: {  	v10 =	vor.u32 $0x20, v41;
	v51 =	vadd.s32 v39, v32;
	v32 =	vmovc v30;
	v30 =	vsel vm0, v2, v42;
	v3 =	vld.idx.msk [tilespmem:v3+s2+$0x0], $0xffff  }
0x161: {  	vm2 =	vmor vm1, vm2;
	v53 =	vsel vm1, v61, v51;
	vm1 =	vle.f32 v58, v0;
	v50 =	vld.idx.msk [tilespmem:v50+s2+$0x0], $0xffff  }
0x162: {  	v51 =	vsel vm2, v22, v51;
	v52 =	vsel vm1, v10, v41;
	v54 =	vsel vm1, v13, v21  }
0x163: {  	v46 =	vadd.s32 $0x4, v4;
	v13 =	vmovc v42;
	v42 =	vsel vm0, v38, v14;
	v55 =	vsel vm1, v55, v30;
	v1 =	vld.idx.msk [tilespmem:v1+s2+$0x0], $0xffff  }
0x164: {  	v10 =	vmovc v14;
	vm0 =	vle.f32 v54, v0;
	v62 =	vor.u32 $0x10, v52;
	v14 =	vsel vm1, v42, v48  }
0x165: {  	s24 =	simm.s32 $0x29C0;
	v54 =	vsel vm0, v62, v52;
	v52 =	vsel vm0, v55, v14;
	vm1 =	vle.f32 v3, v18;
	[tilespmem:$0x1FF30] =	vst v0  }
0x166: {  	vm0 =	vle.f32 v52, v0;
	v3 =	vsel vm1, v46, v4;
	v52 =	vld [tilespmem:s24+$0x0];
	vm1 =	vle.f32 v50, v44  }
0x167: {  	v46 =	vshll.u32 v3, $0x5;
	v4 =	vsel vm1, $0x1, v34  }
0x168: {  	v4 =	vadd.s32 v4, v6;
	vm1 =	vle.f32 v1, v49;
	v1 =	vadd.s32 $0x2, v5  }
0x169: {  	v48 =	vmovc v0;
	v0 =	vld [tilespmem:$0x1FFC0];
	v6 =	vshll.u32 v4, $0x5;
	vm2 =	veq.s32 v4, $0x64;
	v5 =	vsel vm1, v1, v5  }
0x16a: {  	v51 =	vld.idx.msk [tilespmem:v51+s15+$0x0], $0xffff;
	v1 =	vadd.s32 v7, v46;
	vm1 =	veq.s32 v4, $0x0;
	v6 =	vadd.s32 v39, v6  }
0x16b: {  	v50 =	vld.idx.msk [tilespmem:v53+s2+$0x0], $0xffff;
	[tilespmem:$0x1FDB0] =	vst v60;
	vm3 =	vle.f32 v26, v52;
	v30 =	vshll.u32 v5, $0x5;
	v4 =	vsel vm1, v61, v6  }
0x16c: {  	v15 =	vmovc v9;
	v20 =	vmovc v59;
	v41 =	vmov v7;
	[tilespmem:$0x1FCB0] =	vst v47;
	vm1 =	vmor vm1, vm2;
	v57 =	vsel vm3, v47, v60  }
0x16d: {  	[tilespmem:$0x1FCC0] =	vst v17;
	v59 =	vsel vm3, v9, v43;
	v42 =	vsel vm3, v31, v29;
	v6 =	vsel vm1, v22, v6  }
0x16e: {  	v7 =	vmovc v47;
	v47 =	vsel vm3, v23, v27;
	v56 =	vor.u32 v0, v30;
	v30 =	vmovc v60;
	v60 =	vsel vm3, $0x40, v34  }
0x16f: {  	v9 =	vmovc v63;
	v14 =	vsel vm3, v24, v33;
	vm1 =	vle.f32 v42, v52;
	v63 =	vld.idx.msk [tilespmem:v1+s2+$0x0], $0xffff;
	v1 =	vor.u32 $0x20, v60  }
0x170: {  	v22 =	vmov v0;
	v42 =	vsel vm1, v47, v14;
	v0 =	vld.idx.msk [tilespmem:v4+s2+$0x0], $0xffff;
	v1 =	vsel vm1, v1, v60  }
0x171: {  	v55 =	vor.u32 $0x8, v54;
	v53 =	vld.idx.msk [tilespmem:v53+s10+$0x0], $0xffff;
	vm2 =	vle.f32 v42, v52;
	v47 =	vor.u32 $0x10, v1  }
0x172: {  	v6 =	vld.idx.msk [tilespmem:v6+s15+$0x0], $0xffff;
	v60 =	vsel vm2, v47, v1;
	v1 =	vsel vm0, v55, v54  }
0x173: {  	v14 =	vld [tilespmem:s24+$0xFFFFFFE0];
	[tilespmem:$0x1FCA0] =	vst v1  }
0x174: {  	v4 =	vld.idx.msk [tilespmem:v4+s10+$0x0], $0xffff  }
0x175: {  	v46 =	vsel vm3, v25, v37;
	v58 =	vsel vm3, v36, v17;
	v44 =	vsub.f32 v44, v0  }
0x176: {  	v40 =	vmov v2;
	v57 =	vsel vm1, v46, v57;
	v58 =	vsel vm1, v58, v59  }
0x177: {  	v2 =	vmovc v12;
	v12 =	vadd.s32 $0x2, v3;
	v57 =	vsel vm2, v57, v58;
	v54 =	vld.idx.msk [tilespmem:v56+s2+$0x0], $0xffff;
	v6 =	vmul.f32 v44, v6  }
0x178: {  	v50 =	vsub.f32 v19, v50;
	vm0 =	vle.f32 v57, v52;
	v47 =	vor.u32 $0x8, v60  }
0x179: {  	v55 =	vsel vm0, v47, v60;
	v0 =	vadd.s32 $0x4, v1;
	v4 =	vadd.f32 v6, v4  }
0x17a: {  	s21 =	simm.s32 $0x3980;
	v50 =	vmul.f32 v50, v51;
	vm1 =	vle.f32 v26, v14;
	v61 =	vshll.u32 v55, $0x5;
	[tilespmem:$0x1FC90] =	vst v0  }
0x17b: {  	v42 =	vld [tilespmem:$0x1FFD0];
	vm0 =	vle.f32 v63, v18;
	v60 =	vsel vm1, v31, v29;
	v62 =	vadd.s32 v8, v61;
	[tilespmem:s21+$0x0] =	vst v4  }
0x17c: {  	v47 =	vsel vm0, v12, v3;
	v44 =	vadd.f32 v50, v53;
	vm0 =	vle.f32 v54, v49;
	v53 =	vld [tilespmem:s23+$0x10]  }
0x17d: {  	v54 =	vsel vm0, $0x1, v34;
	vm0 =	vle.f32 v60, v14;
	v60 =	vsel vm1, v36, v17;
	v17 =	vld [tilespmem:$0x1FE80]  }
0x17e: {  	v21 =	vmov v16;
	v16 =	vlaneseq.u32;
	v63 =	vshll.u32 v47, $0x5  }
0x17f: {  	v50 =	vor.u32 v16, v63;
	v6 =	vsel vm1, $0x40, v34;
	v5 =	vadd.s32 v54, v5  }
0x180: {  	v51 =	vld.idx.msk [tilespmem:v62+s2+$0x0], $0xffff;
	v4 =	vsel vm1, v23, v27;
	v62 =	vsel vm1, v24, v33;
	v54 =	vshll.u32 v5, $0x5  }
0x181: {  	vm2 =	veq.s32 v5, $0x0;
	vm3 =	veq.s32 v5, $0x64;
	v54 =	vadd.s32 v45, v54  }
0x182: {  	v12 =	vmovc v8;
	v8 =	vld [tilespmem:$0x1FD30];
	v45 =	vsel vm2, v9, v54;
	vm2 =	vmor vm2, vm3;
	vm3 =	vle.f32 v17, v53  }
0x183: {  	v16 =	vmovc v14;
	v61 =	vor.u32 $0x20, v6;
	v14 =	vmovc v13;
	v46 =	vsel vm0, v4, v62;
	v62 =	vsel vm3, v40, v13;
	v13 =	vld [tilespmem:$0x1FD20]  }
0x184: {  	v6 =	vsel vm0, v61, v6;
	v54 =	vsel vm2, v2, v54;
	v2 =	vmovc v20;
	v61 =	vsel vm3, v20, v11;
	v20 =	vld [tilespmem:$0x1FCD0]  }
0x185: {  	v19 =	vmov v21;
	v5 =	vsel vm3, v21, v28;
	v21 =	vld [tilespmem:$0x1FD60]  }
0x186: {  	v56 =	vshll.u32 v1, $0x5  }
0x187: {  	v58 =	vsel vm1, v25, v37;
	v59 =	vsel vm1, v7, v30;
	v56 =	vadd.s32 v42, v56  }
0x188: {  	v59 =	vsel vm0, v58, v59;
	v57 =	vor.u32 $0x10, v6;
	vm2 =	vle.f32 v51, v52  }
0x189: {  	v63 =	vsel vm3, v38, v10;
	v4 =	vsel vm3, v35, v32;
	v3 =	vsel vm3, v8, v13  }
0x18a: {  	v0 =	vsel vm3, $0x40, v34;
	v1 =	vsel vm3, v20, v21;
	vm3 =	vle.f32 v3, v53  }
0x18b: {  	[tilespmem:$0x1FD40] =	vst v32;
	v51 =	vadd.s32 $0x4, v55;
	v3 =	vor.u32 $0x20, v0;
	v61 =	vsel vm3, v61, v62  }
0x18c: {  	v50 =	vld.idx.msk [tilespmem:v50+s2+$0x0], $0xffff;
	v1 =	vsel vm3, v4, v1;
	v0 =	vsel vm3, v3, v0;
	v3 =	vsel vm2, v51, v55  }
0x18d: {  	[tilespmem:s20+$0xFFFFFFE0] =	vst v44;
	v5 =	vsel vm3, v63, v5;
	vm2 =	vle.f32 v1, v53;
	v1 =	vld.idx.msk [tilespmem:v45+s2+$0x0], $0xffff;
	v4 =	vor.u32 $0x10, v0  }
0x18e: {  	v44 =	vld [tilespmem:s22+$0xFFFFFFF0];
	v63 =	vsel vm1, v15, v43;
	v51 =	vshll.u32 v3, $0x5;
	v0 =	vsel vm2, v4, v0  }
0x18f: {  	v54 =	vld.idx.msk [tilespmem:v54+s15+$0x0], $0xffff;
	v4 =	vsel vm2, v61, v5;
	v5 =	vadd.s32 v41, v51;
	vm2 =	vle.f32 v46, v16  }
0x190: {  	vm1 =	vle.f32 v4, v53;
	v4 =	vor.u32 $0x8, v0;
	v6 =	vsel vm2, v57, v6  }
0x191: {  	v45 =	vld.idx.msk [tilespmem:v45+s10+$0x0], $0xffff;
	v0 =	vsel vm1, v4, v0;
	v4 =	vsel vm0, v60, v63;
	vm0 =	vle.f32 v50, v18  }
0x192: {  	v61 =	vshll.u32 v0, $0x5;
	v4 =	vsel vm2, v59, v4;
	v1 =	vsub.f32 v49, v1  }
0x193: {  	v55 =	vsel vm0, $0x1, v34;
	vm0 =	vle.f32 v17, v44;
	v63 =	vadd.s32 v42, v61  }
0x194: {  	vm1 =	vle.f32 v4, v16;
	v4 =	vor.u32 $0x8, v6;
	v5 =	vld.idx.msk [tilespmem:v5+s2+$0x0], $0xffff;
	v1 =	vmul.f32 v1, v54  }
0x195: {  	v9 =	vmovc v38;
	v51 =	vsel vm0, v20, v21;
	v21 =	vsel vm0, v40, v14;
	v38 =	vsel vm0, v38, v10  }
0x196: {  	v4 =	vsel vm1, v4, v6;
	v6 =	vadd.s32 v55, v47;
	v1 =	vadd.f32 v1, v45  }
0x197: {  	v30 =	vmovc v11;
	v11 =	vmovc v28;
	v28 =	vld [tilespmem:$0x1FFB0];
	v47 =	vsel vm0, v35, v32;
	v57 =	vshll.u32 v4, $0x5;
	v58 =	vshll.u32 v6, $0x5  }
0x198: {  	v62 =	vmovc v15;
	v15 =	vmovc v12;
	vm1 =	veq.s32 v6, $0x0;
	vm2 =	veq.s32 v6, $0x64;
	[tilespmem:$0x1FF20] =	vst v1;
	v1 =	vadd.s32 v12, v57;
	v12 =	vld [tilespmem:$0x1FFE0]  }
0x199: {  	v59 =	vadd.s32 v39, v58;
	vm3 =	vle.f32 v5, v52;
	v5 =	vadd.s32 $0x2, v3;
	v6 =	vld.idx.msk [tilespmem:v63+s2+$0x0], $0xffff  }
0x19a: {  	vm2 =	vmor vm1, vm2;
	v3 =	vsel vm3, v5, v3;
	v5 =	vsel vm0, $0x40, v34  }
0x19b: {  	v45 =	vadd.s32 $0x4, v4;
	v63 =	vsel vm0, v8, v13;
	v55 =	vld.idx.msk [tilespmem:v56+s2+$0x0], $0xffff;
	v13 =	vor.u32 $0x20, v5  }
0x19c: {  	v61 =	vsel vm1, v28, v59;
	v8 =	vlaneseq.u32;
	v60 =	vshll.u32 v3, $0x5  }
0x19d: {  	vm1 =	vle.f32 v63, v44;
	v63 =	vsel vm0, v2, v30;
	v46 =	vsel vm2, v12, v59;
	v1 =	vld.idx.msk [tilespmem:v1+s2+$0x0], $0xffff  }
0x19e: {  	v5 =	vsel vm1, v13, v5;
	v13 =	vmovc v2;
	v2 =	vld [tilespmem:$0x1FF60];
	vm2 =	vle.f32 v6, v53;
	v6 =	vadd.s32 $0x4, v0  }
0x19f: {  	v49 =	vor.u32 v8, v60;
	v54 =	vsel vm1, v63, v21;
	v0 =	vsel vm2, v6, v0  }
0x1a0: {  	v7 =	vld [tilespmem:$0x1FCA0];
	v6 =	vsel vm1, v47, v51;
	v47 =	vsel vm0, v19, v11;
	vm0 =	vle.f32 v55, v48  }
0x1a1: {  	v51 =	vld.idx.msk [tilespmem:v61+s2+$0x0], $0xffff;
	v60 =	vshll.u32 v0, $0x5;
	vm2 =	vle.f32 v6, v44;
	v6 =	vor.u32 $0x10, v5  }
0x1a2: {  	v5 =	vsel vm2, v6, v5;
	v6 =	vsel vm1, v38, v47;
	vm1 =	vle.f32 v1, v16;
	v55 =	vld.idx.msk [tilespmem:v46+s15+$0x0], $0xffff  }
0x1a3: {  	v32 =	vadd.s32 v2, v60;
	v46 =	vsel vm1, v45, v4;
	v4 =	vld [tilespmem:$0x1FC90]  }
0x1a4: {  	v49 =	vld.idx.msk [tilespmem:v49+s2+$0x0], $0xffff;
	_ =	sdelay $0x2  }
0x1a5: {  	v1 =	vsel vm2, v54, v6;
	v6 =	vor.u32 $0x8, v5  }
0x1a6: {  	v47 =	vsub.f32 v18, v51;
	v21 =	vld.idx.msk [tilespmem:v32+s2+$0x0], $0xffff;
	v56 =	vsel vm0, v4, v7;
	vm0 =	vle.f32 v1, v44  }
0x1a7: {  	vm1 =	vle.f32 v49, v52;
	v1 =	vshll.u32 v46, $0x5;
	v54 =	vsel vm0, v6, v5  }
0x1a8: {  	v38 =	vadd.s32 v41, v1;
	v5 =	vsel vm1, $0x1, v34;
	v1 =	vadd.s32 $0x4, v54  }
0x1a9: {  	s26 =	simm.s32 $0x2A00;
	v50 =	vmul.f32 v47, v55;
	v3 =	vadd.s32 v5, v3;
	[tilespmem:$0x1FD00] =	vst v1  }
0x1aa: {  	v6 =	vshll.u32 v54, $0x5;
	v5 =	vshll.u32 v56, $0x5;
	v59 =	vshll.u32 v3, $0x5;
	v57 =	vld [tilespmem:s26+$0x0]  }
0x1ab: {  	vm1 =	veq.s32 v3, $0x0;
	vm0 =	vle.f32 v21, v53;
	v21 =	vadd.s32 $0x2, v0  }
0x1ac: {  	v20 =	vld [tilespmem:$0x1FCC0];
	vm2 =	veq.s32 v3, $0x64;
	v63 =	vadd.s32 v39, v59;
	v48 =	vsel vm0, v21, v0  }
0x1ad: {  	v17 =	vmovc v19;
	v19 =	vld [tilespmem:$0x1FDB0];
	v1 =	vadd.s32 v42, v6;
	v4 =	vsel vm1, v28, v63;
	v0 =	vshll.u32 v48, $0x5  }
0x1ae: {  	[tilespmem:$0x1FCE0] =	vst v1;
	v1 =	vadd.s32 v2, v5;
	vm0 =	vmor vm1, vm2;
	v6 =	vor.u32 v22, v0;
	v22 =	vld [tilespmem:$0x1FCB0]  }
0x1af: {  	v49 =	vld.idx.msk [tilespmem:v61+s10+$0x0], $0xffff;
	[tilespmem:$0x1FCF0] =	vst v1;
	v47 =	vsel vm0, v12, v63;
	vm1 =	vle.f32 v26, v57  }
0x1b0: {  	v32 =	vmovc v41;
	v7 =	vmov v42;
	v42 =	vmov v12;
	v59 =	vld.idx.msk [tilespmem:v38+s2+$0x0], $0xffff;
	[tilespmem:$0x1FDD0] =	vst v43;
	v5 =	vsel vm1, v25, v37  }
0x1b1: {  	v12 =	vmovc v62;
	[tilespmem:$0x1FDC0] =	vst v62;
	v38 =	vsel vm1, v36, v20;
	v62 =	vsel vm1, v62, v43;
	v41 =	vsel vm1, $0x40, v34  }
0x1b2: {  	v0 =	vsel vm1, v31, v29;
	v3 =	vsel vm1, v23, v27;
	v51 =	vld.idx.msk [tilespmem:v4+s2+$0x0], $0xffff;
	v1 =	vsel vm1, v24, v33  }
0x1b3: {  	vm0 =	vle.f32 v0, v57;
	v0 =	vor.u32 $0x20, v41;
	v60 =	vsel vm1, v22, v19  }
0x1b4: {  	v0 =	vsel vm0, v0, v41;
	v1 =	vsel vm0, v3, v1;
	v3 =	vsel vm0, v5, v60;
	v5 =	vld.idx.msk [tilespmem:v47+s15+$0x0], $0xffff  }
0x1b5: {  	vm1 =	vle.f32 v1, v57;
	v1 =	vor.u32 $0x10, v0;
	v60 =	vsel vm0, v38, v62  }
0x1b6: {  	v1 =	vsel vm1, v1, v0;
	v0 =	vsel vm1, v3, v60;
	v3 =	vld.idx.msk [tilespmem:v4+s10+$0x0], $0xffff  }
0x1b7: {  	v45 =	vsub.f32 v52, v51;
	_ =	sdelay $0x1  }
0x1b8: {  	v5 =	vmul.f32 v45, v5  }
0x1b9: {  	v18 =	vld [tilespmem:s26+$0xFFFFFFE0]  }
0x1ba: {  	v6 =	vld.idx.msk [tilespmem:v6+s2+$0x0], $0xffff;
	vm1 =	vle.f32 v0, v57;
	v0 =	vadd.s32 $0x2, v56;
	v3 =	vadd.f32 v5, v3  }
0x1bb: {  	s22 =	simm.s32 $0x39C0;
	v58 =	vadd.s32 $0x2, v46;
	vm0 =	vle.f32 v59, v16;
	v4 =	vor.u32 $0x8, v1;
	[tilespmem:$0x1FD10] =	vst v0  }
0x1bc: {  	v51 =	vsel vm0, v58, v46;
	v46 =	vsel vm1, v4, v1;
	[tilespmem:s22+$0x0] =	vst v3  }
0x1bd: {  	v4 =	vshll.u32 v51, $0x5;
	v61 =	vshll.u32 v46, $0x5;
	v52 =	vld [tilespmem:s24+$0x10]  }
0x1be: {  	v55 =	vmovc v28;
	vm1 =	vle.f32 v26, v18;
	v4 =	vor.u32 v8, v4;
	v47 =	vadd.s32 v15, v61;
	v28 =	vld [tilespmem:$0x1FF70]  }
0x1bf: {  	vm0 =	vle.f32 v6, v53;
	v6 =	vsel vm1, v31, v29;
	v63 =	vsel vm1, v24, v33;
	v2 =	vld [tilespmem:$0x1FF90]  }
0x1c0: {  	v21 =	vsel vm1, v25, v37;
	v38 =	vsel vm1, v22, v19;
	v59 =	vsel vm1, v36, v20;
	v0 =	vld [tilespmem:$0x1FF80]  }
0x1c1: {  	v60 =	vsel vm1, v12, v43;
	v45 =	vadd.f32 v50, v49;
	v62 =	vsel vm0, $0x1, v34;
	v8 =	vld [tilespmem:$0x1FE80]  }
0x1c2: {  	vm0 =	vle.f32 v6, v18;
	v48 =	vadd.s32 v62, v48;
	v5 =	vsel vm1, $0x40, v34  }
0x1c3: {  	v49 =	vshll.u32 v48, $0x5;
	vm2 =	veq.s32 v48, $0x0;
	v3 =	vsel vm1, v23, v27;
	v47 =	vld.idx.msk [tilespmem:v47+s2+$0x0], $0xffff  }
0x1c4: {  	vm3 =	veq.s32 v48, $0x64;
	v3 =	vsel vm0, v3, v63;
	v49 =	vadd.s32 v28, v49  }
0x1c5: {  	v41 =	vmovc v15;
	v15 =	vld [tilespmem:$0x1FD30];
	vm1 =	vle.f32 v3, v18;
	v48 =	vsel vm2, v2, v49;
	vm2 =	vmor vm2, vm3  }
0x1c6: {  	v3 =	vsel vm0, v21, v38;
	v21 =	vld [tilespmem:$0x1FD60];
	v49 =	vsel vm2, v0, v49;
	vm2 =	vle.f32 v8, v52  }
0x1c7: {  	v19 =	vmov v9;
	v58 =	vsel vm2, v9, v10;
	v9 =	vld [tilespmem:$0x1FD20]  }
0x1c8: {  	v43 =	vmovc v13;
	v6 =	vor.u32 $0x20, v5;
	vm3 =	vle.f32 v47, v57;
	v47 =	vsel vm2, v13, v30;
	v13 =	vld [tilespmem:$0x1FD40]  }
0x1c9: {  	v5 =	vsel vm0, v6, v5;
	v38 =	vmov v30;
	v30 =	vld [tilespmem:$0x1FCD0]  }
0x1ca: {  	v6 =	vor.u32 $0x10, v5  }
0x1cb: {  	v5 =	vsel vm1, v6, v5  }
0x1cc: {  	v50 =	vsel vm2, v40, v14;
	v63 =	vsel vm2, v17, v11;
	v0 =	vsel vm2, $0x40, v34  }
0x1cd: {  	v12 =	vmovc v11;
	v11 =	vor.u32 $0x20, v0;
	v61 =	vsel vm2, v15, v9;
	v62 =	vsel vm2, v35, v13  }
0x1ce: {  	v1 =	vsel vm2, v30, v21;
	vm2 =	vle.f32 v61, v52;
	v61 =	vadd.s32 $0x4, v46  }
0x1cf: {  	[tilespmem:$0x1FD50] =	vst v35;
	v47 =	vsel vm2, v47, v50;
	v1 =	vsel vm2, v62, v1;
	v0 =	vsel vm2, v11, v0  }
0x1d0: {  	v46 =	vsel vm3, v61, v46;
	vm3 =	vle.f32 v1, v52;
	v1 =	vld.idx.msk [tilespmem:v4+s2+$0x0], $0xffff;
	v4 =	vor.u32 $0x10, v0  }
0x1d1: {  	v62 =	vsel vm2, v58, v63;
	v63 =	vshll.u32 v46, $0x5;
	v0 =	vsel vm3, v4, v0  }
0x1d2: {  	v4 =	vsel vm3, v47, v62;
	v61 =	vadd.s32 v32, v63;
	v62 =	vsel vm0, v59, v60  }
0x1d3: {  	[tilespmem:s21+$0xFFFFFFE0] =	vst v45;
	vm0 =	vle.f32 v4, v52;
	v4 =	vor.u32 $0x8, v0;
	v3 =	vsel vm1, v3, v62  }
0x1d4: {  	v45 =	vld [tilespmem:s23+$0xFFFFFFF0];
	v0 =	vsel vm0, v4, v0;
	vm0 =	vle.f32 v3, v18;
	v3 =	vor.u32 $0x8, v5  }
0x1d5: {  	v11 =	vld.idx.msk [tilespmem:v48+s2+$0x0], $0xffff;
	v4 =	vshll.u32 v0, $0x5;
	vm1 =	vle.f32 v1, v16;
	v1 =	vsel vm0, v3, v5  }
0x1d6: {  	v3 =	vadd.s32 v7, v4;
	v63 =	vshll.u32 v1, $0x5  }
0x1d7: {  	v6 =	vld.idx.msk [tilespmem:v49+s15+$0x0], $0xffff;
	v49 =	vadd.s32 v41, v63;
	_ =	sdelay $0x2  }
0x1d8: {  	v60 =	vadd.s32 $0x2, v46;
	v5 =	vsub.f32 v53, v11;
	vm0 =	vle.f32 v8, v45;
	v47 =	vld.idx.msk [tilespmem:v61+s2+$0x0], $0xffff  }
0x1d9: {  	v4 =	vsel vm1, $0x1, v34;
	v61 =	vsel vm0, v15, v9;
	v21 =	vsel vm0, v30, v21;
	v3 =	vld.idx.msk [tilespmem:v3+s2+$0x0], $0xffff  }
0x1da: {  	v4 =	vadd.s32 v4, v51;
	v5 =	vmul.f32 v5, v6;
	v6 =	vadd.s32 $0x4, v1;
	v49 =	vld.idx.msk [tilespmem:v49+s2+$0x0], $0xffff  }
0x1db: {  	v11 =	vshll.u32 v4, $0x5;
	vm1 =	veq.s32 v4, $0x0;
	vm2 =	veq.s32 v4, $0x64  }
0x1dc: {  	v63 =	vsel vm0, v35, v13;
	v4 =	vadd.s32 v39, v11;
	vm2 =	vmor vm1, vm2  }
0x1dd: {  	v50 =	vsel vm1, v55, v4;
	v4 =	vsel vm2, v42, v4;
	vm1 =	vle.f32 v47, v57  }
0x1de: {  	v46 =	vsel vm1, v60, v46;
	vm2 =	vle.f32 v3, v52;
	v3 =	vadd.s32 $0x4, v0  }
0x1df: {  	vm1 =	vle.f32 v61, v45;
	v0 =	vsel vm2, v3, v0;
	vm2 =	vle.f32 v49, v18  }
0x1e0: {  	v47 =	vsel vm1, v63, v21;
	v63 =	vsel vm2, v6, v1  }
0x1e1: {  	v3 =	vld [tilespmem:$0x1FCE0];
	v6 =	vshll.u32 v63, $0x5  }
0x1e2: {  	v9 =	vmov v12;
	v61 =	vsel vm0, v17, v12;
	v12 =	vadd.s32 v32, v6;
	v6 =	vld [tilespmem:$0x1FCF0];
	_ =	sdelay $0x3  }
0x1e3: {  	v48 =	vld.idx.msk [tilespmem:v48+s10+$0x0], $0xffff;
	v8 =	vmov v41;
	v41 =	vsel vm0, $0x40, v34  }
0x1e4: {  	v35 =	vmovc v30;
	v30 =	vlaneseq.u32;
	v62 =	vor.u32 $0x20, v41;
	v13 =	vshll.u32 v46, $0x5;
	v21 =	vld [tilespmem:$0x1FF60]  }
0x1e5: {  	v51 =	vsel vm1, v62, v41;
	v53 =	vor.u32 v30, v13;
	v62 =	vld.idx.msk [tilespmem:v50+s2+$0x0], $0xffff  }
0x1e6: {  	v60 =	vsel vm0, v19, v10;
	v3 =	vld.idx.msk [tilespmem:v3+s2+$0x0], $0xffff  }
0x1e7: {  	v59 =	vsel vm0, v40, v14;
	v13 =	vmovc v14;
	v14 =	vmov v10;
	v10 =	vsel vm1, v60, v61;
	v61 =	vld.idx.msk [tilespmem:v6+s2+$0x0], $0xffff  }
0x1e8: {  	v6 =	vld [tilespmem:$0x1FD00]  }
0x1e9: {  	v58 =	vsel vm0, v43, v38;
	v5 =	vadd.f32 v5, v48;
	v11 =	vmovc v40;
	v4 =	vld.idx.msk [tilespmem:v4+s15+$0x0], $0xffff;
	v49 =	vshll.u32 v0, $0x5  }
0x1ea: {  	v40 =	vsel vm1, v58, v59;
	vm0 =	vle.f32 v47, v45;
	v1 =	vadd.s32 v21, v49;
	v49 =	vld.idx.msk [tilespmem:v53+s2+$0x0], $0xffff  }
0x1eb: {  	v47 =	vor.u32 $0x10, v51;
	v40 =	vsel vm0, v40, v10  }
0x1ec: {  	vm1 =	vle.f32 v40, v45;
	[tilespmem:$0x1FF40] =	vst v5;
	v5 =	vsel vm0, v47, v51;
	vm0 =	vle.f32 v3, v44  }
0x1ed: {  	v58 =	vsub.f32 v16, v62;
	v3 =	vld.idx.msk [tilespmem:v50+s10+$0x0], $0xffff;
	v53 =	vor.u32 $0x8, v5;
	v6 =	vsel vm0, v6, v54  }
0x1ee: {  	v15 =	vld [tilespmem:$0x1FFC0];
	v40 =	vsel vm1, v53, v5;
	[tilespmem:$0x1FD90] =	vst v6  }
0x1ef: {  	v4 =	vmul.f32 v58, v4;
	vm0 =	vle.f32 v49, v57;
	v5 =	vld.idx.msk [tilespmem:v1+s2+$0x0], $0xffff;
	v1 =	vshll.u32 v40, $0x5  }
0x1f0: {  	v62 =	vshll.u32 v6, $0x5;
	v10 =	vld.idx.msk [tilespmem:v12+s2+$0x0], $0xffff;
	v12 =	vsel vm0, $0x1, v34;
	v1 =	vadd.s32 v7, v1  }
0x1f1: {  	v30 =	vmovc v38;
	v38 =	vmov v19;
	v19 =	vld [tilespmem:$0x1FF30];
	v46 =	vadd.s32 v12, v46;
	[tilespmem:$0x1FD70] =	vst v1;
	v1 =	vadd.s32 v21, v62  }
0x1f2: {  	s28 =	simm.s32 $0x2A40;
	v58 =	vadd.f32 v4, v3;
	v6 =	vld [tilespmem:$0x1FDD0];
	v4 =	vshll.u32 v46, $0x5;
	[tilespmem:$0x1FD80] =	vst v1  }
0x1f3: {  	vm2 =	veq.s32 v46, $0x0;
	v4 =	vadd.s32 v39, v4;
	v54 =	vld [tilespmem:s28+$0x0]  }
0x1f4: {  	v16 =	vmov v7;
	v7 =	vld [tilespmem:$0x1FDC0];
	vm3 =	veq.s32 v46, $0x64;
	v46 =	vsel vm2, v55, v4  }
0x1f5: {  	vm2 =	vmor vm2, vm3;
	vm1 =	vle.f32 v5, v52;
	v5 =	vadd.s32 $0x2, v0  }
0x1f6: {  	v60 =	vadd.s32 $0x2, v63;
	v47 =	vsel vm2, v42, v4;
	v4 =	vld [tilespmem:$0x1FD10];
	v3 =	vsel vm1, v5, v0  }
0x1f7: {  	vm0 =	vle.f32 v61, v19;
	vm1 =	vle.f32 v10, v18;
	v10 =	vld [tilespmem:$0x1FDB0];
	v5 =	vshll.u32 v3, $0x5  }
0x1f8: {  	v48 =	vsel vm1, v60, v63;
	v5 =	vor.u32 v15, v5;
	vm3 =	vle.f32 v26, v54  }
0x1f9: {  	v1 =	vld.idx.msk [tilespmem:v46+s2+$0x0], $0xffff;
	v49 =	vsel vm3, v25, v37;
	v51 =	vsel vm3, v36, v20;
	v59 =	vsel vm3, v7, v6  }
0x1fa: {  	v55 =	vmovc v42;
	v60 =	vld [tilespmem:s28+$0xFFFFFFE0];
	v39 =	vsel vm3, $0x40, v34;
	v42 =	vsel vm3, v31, v29;
	v53 =	vsel vm3, v23, v27  }
0x1fb: {  	v41 =	vmovc v17;
	v0 =	vsel vm3, v24, v33;
	v47 =	vld.idx.msk [tilespmem:v47+s15+$0x0], $0xffff;
	vm1 =	vle.f32 v42, v54;
	v12 =	vor.u32 $0x20, v39  }
0x1fc: {  	v46 =	vld.idx.msk [tilespmem:v46+s10+$0x0], $0xffff;
	v17 =	vsel vm0, v4, v56;
	v50 =	vsel vm3, v22, v10;
	v61 =	vsel vm1, v12, v39  }
0x1fd: {  	v0 =	vsel vm1, v53, v0;
	v49 =	vsel vm1, v49, v50;
	v39 =	vsel vm1, v51, v59;
	v5 =	vld.idx.msk [tilespmem:v5+s2+$0x0], $0xffff  }
0x1fe: {  	vm2 =	vle.f32 v0, v54;
	v0 =	vor.u32 $0x10, v61;
	v1 =	vsub.f32 v57, v1  }
0x1ff: {  	v4 =	vlaneseq.u32;
	v0 =	vsel vm2, v0, v61;
	v49 =	vsel vm2, v49, v39  }
0x200: {  	vm1 =	vle.f32 v49, v54;
	v59 =	vor.u32 $0x8, v0;
	v1 =	vmul.f32 v1, v47  }
0x201: {  	v42 =	vshll.u32 v48, $0x5;
	vm0 =	vle.f32 v26, v60;
	v49 =	vsel vm1, v59, v0  }
0x202: {  	v0 =	vshll.u32 v49, $0x5;
	vm1 =	vle.f32 v5, v52;
	v1 =	vadd.f32 v1, v46  }
0x203: {  	s23 =	simm.s32 $0x3A00;
	[tilespmem:$0x1FE70] =	vst v17;
	v5 =	vadd.s32 v8, v0;
	v0 =	vsel vm0, v31, v29;
	v62 =	vsel vm1, $0x1, v34  }
0x204: {  	v50 =	vor.u32 v4, v42;
	vm1 =	vle.f32 v0, v60;
	v0 =	vadd.s32 v62, v3;
	[tilespmem:s23+$0x0] =	vst v1  }
0x205: {  	v42 =	vsel vm0, v22, v10;
	v10 =	vsel vm0, v7, v6;
	v51 =	vshll.u32 v0, $0x5;
	v6 =	vld [tilespmem:$0x1FE80]  }
0x206: {  	v12 =	vsel vm0, v24, v33;
	v61 =	vsel vm0, $0x40, v34;
	v1 =	vadd.s32 v28, v51;
	v51 =	vld [tilespmem:s26+$0x10]  }
0x207: {  	v39 =	vsel vm0, v25, v37;
	vm2 =	veq.s32 v0, $0x0;
	vm3 =	veq.s32 v0, $0x64;
	v0 =	vld [tilespmem:$0x1FF80]  }
0x208: {  	v57 =	vsel vm0, v36, v20;
	v63 =	vor.u32 $0x20, v61;
	v3 =	vsel vm0, v23, v27;
	v28 =	vld [tilespmem:$0x1FD20]  }
0x209: {  	v46 =	vsel vm1, v63, v61;
	v3 =	vsel vm1, v3, v12;
	v12 =	vsel vm1, v57, v10;
	v5 =	vld.idx.msk [tilespmem:v5+s2+$0x0], $0xffff  }
0x20a: {  	vm0 =	vle.f32 v3, v60;
	v3 =	vsel vm1, v39, v42;
	v53 =	vsel vm2, v2, v1;
	v2 =	vld [tilespmem:$0x1FD30]  }
0x20b: {  	v47 =	vor.u32 $0x10, v46;
	v39 =	vmovc v11;
	v3 =	vsel vm0, v3, v12;
	v12 =	vld [tilespmem:$0x1FD40];
	vm1 =	vle.f32 v6, v51  }
0x20c: {  	v47 =	vsel vm0, v47, v46;
	v46 =	vsel vm1, v11, v13;
	v11 =	vmovc v14;
	v56 =	vsel vm1, v38, v14;
	v14 =	vld [tilespmem:$0x1FD50]  }
0x20d: {  	v10 =	vmov v9;
	v62 =	vsel vm1, v41, v9;
	v9 =	vld [tilespmem:$0x1FD60]  }
0x20e: {  	vm2 =	vmor vm2, vm3  }
0x20f: {  	v42 =	vmovc v30;
	vm0 =	vle.f32 v5, v54;
	v5 =	vsel vm1, v43, v30;
	v30 =	vsel vm1, v2, v28  }
0x210: {  	v1 =	vsel vm2, v0, v1;
	v63 =	vsel vm1, $0x40, v34;
	vm2 =	vle.f32 v30, v51  }
0x211: {  	v7 =	vmov v13;
	[tilespmem:$0x1FE90] =	vst v43;
	v30 =	vor.u32 $0x20, v63;
	v5 =	vsel vm2, v5, v46  }
0x212: {  	[tilespmem:$0x1FEA0] =	vst v13;
	v30 =	vsel vm2, v30, v63;
	v61 =	vsel vm1, v14, v12;
	v0 =	vsel vm1, v35, v9  }
0x213: {  	v13 =	vmovc v35;
	v56 =	vsel vm2, v56, v62;
	v63 =	vshll.u32 v17, $0x5;
	v35 =	vld.idx.msk [tilespmem:v53+s2+$0x0], $0xffff;
	v0 =	vsel vm2, v61, v0  }
0x214: {  	v50 =	vld.idx.msk [tilespmem:v50+s2+$0x0], $0xffff;
	[tilespmem:s22+$0xFFFFFFE0] =	vst v58;
	v61 =	vadd.s32 $0x4, v49;
	vm1 =	vle.f32 v0, v51;
	v0 =	vor.u32 $0x10, v30  }
0x215: {  	v49 =	vsel vm0, v61, v49;
	v61 =	vld.idx.msk [tilespmem:v1+s15+$0x0], $0xffff;
	v0 =	vsel vm1, v0, v30;
	v5 =	vsel vm1, v5, v56  }
0x216: {  	v46 =	vld [tilespmem:s24+$0xFFFFFFF0];
	vm1 =	vle.f32 v3, v60;
	vm0 =	vle.f32 v5, v51;
	v5 =	vor.u32 $0x8, v0  }
0x217: {  	v3 =	vshll.u32 v49, $0x5;
	v56 =	vor.u32 v15, v63;
	v1 =	vsel vm0, v5, v0  }
0x218: {  	v17 =	vmovc v16;
	v5 =	vor.u32 $0x8, v47;
	v30 =	vsub.f32 v52, v35;
	v0 =	vld [tilespmem:$0x1FD70];
	v62 =	vshll.u32 v1, $0x5  }
0x219: {  	v3 =	vadd.s32 v32, v3;
	v5 =	vsel vm1, v5, v47;
	v47 =	vadd.s32 v16, v62;
	v16 =	vmovc v15;
	v15 =	vld [tilespmem:$0x1FFA0]  }
0x21a: {  	vm0 =	vle.f32 v50, v18;
	v57 =	vmul.f32 v30, v61;
	v30 =	vld [tilespmem:$0x1FFB0]  }
0x21b: {  	v35 =	vshll.u32 v5, $0x5;
	v62 =	vsel vm0, $0x1, v34;
	vm0 =	vle.f32 v6, v46  }
0x21c: {  	v52 =	vadd.s32 v8, v35;
	v48 =	vadd.s32 v62, v48;
	v59 =	vsel vm0, $0x40, v34  }
0x21d: {  	v61 =	vsel vm0, v2, v28;
	v63 =	vshll.u32 v48, $0x5;
	vm1 =	veq.s32 v48, $0x0  }
0x21e: {  	vm2 =	veq.s32 v48, $0x64;
	v3 =	vld.idx.msk [tilespmem:v3+s2+$0x0], $0xffff;
	v62 =	vor.u32 $0x20, v59;
	v50 =	vadd.s32 v15, v63  }
0x21f: {  	vm2 =	vmor vm1, vm2;
	v47 =	vld.idx.msk [tilespmem:v47+s2+$0x0], $0xffff;
	v58 =	vsel vm1, v30, v50;
	vm1 =	vle.f32 v61, v46  }
0x220: {  	v59 =	vsel vm1, v62, v59;
	v62 =	vld.idx.msk [tilespmem:v0+s2+$0x0], $0xffff  }
0x221: {  	v0 =	vld [tilespmem:$0x1FD80]  }
0x222: {  	v52 =	vld.idx.msk [tilespmem:v52+s2+$0x0], $0xffff  }
0x223: {  	v48 =	vadd.s32 $0x4, v5;
	v63 =	vsel vm0, v13, v9;
	v50 =	vsel vm2, v55, v50  }
0x224: {  	v61 =	vsel vm0, v14, v12;
	vm2 =	vle.f32 v3, v54;
	v3 =	vadd.s32 $0x2, v49  }
0x225: {  	v49 =	vsel vm2, v3, v49;
	vm2 =	vle.f32 v47, v51;
	v47 =	vadd.s32 $0x4, v1  }
0x226: {  	v56 =	vld.idx.msk [tilespmem:v56+s2+$0x0], $0xffff;
	v61 =	vsel vm1, v61, v63;
	v63 =	vsel vm0, v43, v42;
	v47 =	vsel vm2, v47, v1  }
0x227: {  	v8 =	vmovc v42;
	v42 =	vlaneseq.u32;
	vm2 =	vle.f32 v52, v60;
	v6 =	vld.idx.msk [tilespmem:v58+s2+$0x0], $0xffff;
	v1 =	vshll.u32 v47, $0x5  }
0x228: {  	v52 =	vsel vm0, v39, v7;
	v5 =	vsel vm2, v48, v5;
	v48 =	vld.idx.msk [tilespmem:v53+s10+$0x0], $0xffff;
	v3 =	vadd.s32 v21, v1  }
0x229: {  	v35 =	vmovc v2;
	v53 =	vsel vm0, v38, v11;
	v1 =	vsel vm0, v41, v10;
	v2 =	vld.idx.msk [tilespmem:v0+s2+$0x0], $0xffff;
	v0 =	vshll.u32 v49, $0x5  }
0x22a: {  	v50 =	vld.idx.msk [tilespmem:v50+s15+$0x0], $0xffff;
	vm0 =	vle.f32 v61, v46;
	v4 =	vor.u32 v42, v0;
	v0 =	vshll.u32 v5, $0x5  }
0x22b: {  	v21 =	vor.u32 $0x10, v59;
	v1 =	vsel vm1, v53, v1;
	v53 =	vld.idx.msk [tilespmem:v58+s10+$0x0], $0xffff;
	v0 =	vadd.s32 v32, v0  }
0x22c: {  	v59 =	vsel vm0, v21, v59;
	v21 =	vld [tilespmem:$0x1FD90]  }
0x22d: {  	v52 =	vsel vm1, v63, v52;
	v6 =	vsub.f32 v18, v6;
	v7 =	vadd.f32 v57, v48;
	v3 =	vld.idx.msk [tilespmem:v3+s2+$0x0], $0xffff  }
0x22e: {  	v43 =	vmovc v10;
	v10 =	vadd.s32 $0x4, v40;
	vm1 =	vle.f32 v62, v45;
	v1 =	vsel vm0, v52, v1  }
0x22f: {  	vm0 =	vle.f32 v1, v46;
	v1 =	vor.u32 $0x8, v59;
	v6 =	vmul.f32 v6, v50;
	v4 =	vld.idx.msk [tilespmem:v4+s2+$0x0], $0xffff;
	[tilespmem:$0x1FF50] =	vst v7  }
0x230: {  	s25 =	simm.s32 $0x2A80;
	v61 =	vsel vm1, v10, v40;
	v58 =	vsel vm0, v1, v59;
	v57 =	vadd.s32 $0x2, v5;
	v50 =	vld.idx.msk [tilespmem:v0+s2+$0x0], $0xffff  }
0x231: {  	vm0 =	vle.f32 v56, v19;
	v63 =	vshll.u32 v58, $0x5;
	v6 =	vadd.f32 v6, v53;
	v53 =	vld [tilespmem:s25+$0x0]  }
0x232: {  	v52 =	vadd.s32 $0x2, v21;
	vm3 =	vle.f32 v3, v51;
	v3 =	vadd.s32 $0x2, v47  }
0x233: {  	v62 =	vadd.s32 v17, v63;
	vm1 =	vle.f32 v2, v44;
	v3 =	vsel vm3, v3, v47  }
0x234: {  	v0 =	vsel vm1, v52, v21;
	v47 =	vshll.u32 v3, $0x5;
	vm2 =	vle.f32 v4, v54  }
0x235: {  	v19 =	vld [tilespmem:$0x1FDB0];
	v47 =	vor.u32 v16, v47;
	v4 =	vsel vm2, $0x1, v34;
	vm1 =	vle.f32 v50, v60  }
0x236: {  	v10 =	vmovc v17;
	v17 =	vld [tilespmem:$0x1FDD0];
	vm3 =	vle.f32 v26, v53;
	v4 =	vadd.s32 v4, v49;
	v5 =	vsel vm1, v57, v5  }
0x237: {  	v16 =	vld [tilespmem:$0x1FDC0];
	v50 =	vsel vm3, v25, v37;
	v56 =	vsel vm3, $0x40, v34;
	v59 =	vshll.u32 v4, $0x5  }
0x238: {  	v21 =	vsel vm3, v31, v29;
	vm1 =	veq.s32 v4, $0x0;
	v48 =	vadd.s32 v15, v59  }
0x239: {  	[tilespmem:$0x1FF00] =	vst v0;
	v63 =	vshll.u32 v5, $0x5;
	vm2 =	veq.s32 v4, $0x64;
	v4 =	vsel vm1, v30, v48  }
0x23a: {  	v18 =	vmovc v55;
	v52 =	vld [tilespmem:s25+$0xFFFFFFE0];
	v0 =	vsel vm3, v24, v33;
	v49 =	vor.u32 v42, v63;
	vm2 =	vmor vm1, vm2  }
0x23b: {  	[tilespmem:$0x1FDA0] =	vst v26;
	v63 =	vsel vm3, v23, v27;
	v48 =	vsel vm2, v55, v48;
	v55 =	vsel vm3, v22, v19  }
0x23c: {  	v47 =	vld.idx.msk [tilespmem:v47+s2+$0x0], $0xffff;
	vm2 =	vle.f32 v21, v53;
	v21 =	vor.u32 $0x20, v56;
	v59 =	vsel vm3, v16, v17  }
0x23d: {  	v2 =	vmovc v15;
	v15 =	vld [tilespmem:$0x1FFF0];
	v56 =	vsel vm2, v21, v56;
	v21 =	vsel vm3, v36, v20;
	v0 =	vsel vm2, v63, v0  }
0x23e: {  	v50 =	vsel vm2, v50, v55;
	vm3 =	vle.f32 v0, v53;
	v0 =	vor.u32 $0x10, v56;
	v55 =	vld.idx.msk [tilespmem:v4+s2+$0x0], $0xffff  }
0x23f: {  	vm1 =	vle.f32 v26, v52;
	v26 =	vld [tilespmem:$0x1FF90];
	v57 =	vsel vm2, v21, v59;
	v0 =	vsel vm3, v0, v56  }
0x240: {  	v50 =	vsel vm3, v50, v57;
	v56 =	vsel vm1, v31, v29;
	v48 =	vld.idx.msk [tilespmem:v48+s15+$0x0], $0xffff;
	[tilespmem:$0x1FDE0] =	vst v29  }
0x241: {  	vm3 =	vle.f32 v50, v53;
	vm2 =	vle.f32 v47, v51;
	v47 =	vor.u32 $0x8, v0;
	[tilespmem:$0x1FDF0] =	vst v31;
	v29 =	vld [tilespmem:$0x1FF70]  }
0x242: {  	v63 =	vsel vm1, $0x40, v34;
	v31 =	vsel vm1, v24, v33;
	v4 =	vld.idx.msk [tilespmem:v4+s10+$0x0], $0xffff;
	v1 =	vsel vm3, v47, v0;
	[tilespmem:s23+$0xFFFFFFE0] =	vst v6  }
0x243: {  	v21 =	vsel vm2, $0x1, v34;
	v47 =	vshll.u32 v1, $0x5;
	v59 =	vsub.f32 v54, v55;
	v55 =	vld.idx.msk [tilespmem:v49+s2+$0x0], $0xffff;
	[tilespmem:$0x1FE00] =	vst v27  }
0x244: {  	v6 =	vor.u32 $0x20, v63;
	v3 =	vadd.s32 v21, v3;
	v47 =	vadd.s32 v15, v47;
	[tilespmem:$0x1FE10] =	vst v23  }
0x245: {  	v0 =	vsel vm1, v16, v17;
	v21 =	vshll.u32 v3, $0x5;
	[tilespmem:$0x1FE20] =	vst v33;
	v48 =	vmul.f32 v59, v48  }
0x246: {  	vm2 =	veq.s32 v3, $0x0;
	vm3 =	veq.s32 v3, $0x64;
	v54 =	vadd.s32 v29, v21;
	[tilespmem:$0x1FE30] =	vst v24  }
0x247: {  	v23 =	vsel vm1, v23, v27;
	v3 =	vsel vm2, v26, v54;
	v49 =	vld [tilespmem:s26+$0xFFFFFFF0];
	[tilespmem:$0x1FE40] =	vst v37;
	v4 =	vadd.f32 v48, v4  }
0x248: {  	s24 =	simm.s32 $0x3A40;
	vm2 =	vmor vm2, vm3;
	vm3 =	vle.f32 v56, v52;
	[tilespmem:$0x1FE50] =	vst v25;
	v37 =	vsel vm1, v25, v37  }
0x249: {  	v21 =	vsel vm0, $0x1, v34;
	v6 =	vsel vm3, v6, v63;
	v33 =	vsel vm3, v23, v31;
	v47 =	vld.idx.msk [tilespmem:v47+s2+$0x0], $0xffff;
	[tilespmem:s24+$0x0] =	vst v4  }
0x24a: {  	v23 =	vsel vm1, v22, v19;
	v31 =	vsel vm1, v36, v20;
	vm0 =	vle.f32 v33, v52;
	v7 =	vld [tilespmem:$0x1FF80]  }
0x24b: {  	v33 =	vsel vm3, v37, v23;
	v0 =	vsel vm3, v31, v0;
	[tilespmem:$0x1FE60] =	vst v36;
	v36 =	vor.u32 $0x10, v6;
	v16 =	vld [tilespmem:$0x1FE70]  }
0x24c: {  	v0 =	vsel vm0, v33, v0;
	v17 =	vld [tilespmem:$0x1FE90];
	v6 =	vsel vm0, v36, v6  }
0x24d: {  	vm1 =	vle.f32 v0, v52;
	v50 =	vld [tilespmem:s28+$0x10];
	v0 =	vor.u32 $0x8, v6  }
0x24e: {  	v59 =	vsel vm1, v0, v6;
	v0 =	vld [tilespmem:$0x1FE80]  }
0x24f: {  	v37 =	vld.idx.msk [tilespmem:v3+s2+$0x0], $0xffff  }
0x250: {  	v19 =	vld [tilespmem:$0x1FEA0];
	vm0 =	vle.f32 v55, v60;
	v4 =	vsel vm2, v7, v54  }
0x251: {  	v63 =	vsel vm0, $0x1, v34  }
0x252: {  	v5 =	vadd.s32 v63, v5  }
0x253: {  	vm1 =	vle.f32 v47, v53;
	v55 =	vadd.s32 v21, v16;
	vm2 =	vle.f32 v0, v50  }
0x254: {  	v48 =	vsub.f32 v51, v37;
	vm0 =	vle.f32 v0, v49;
	v6 =	vsel vm2, v17, v8  }
0x255: {  	v21 =	vsel vm2, v39, v19;
	v54 =	vsel vm2, v38, v11;
	v22 =	vsel vm2, v35, v28;
	v4 =	vld.idx.msk [tilespmem:v4+s15+$0x0], $0xffff  }
0x256: {  	v23 =	vsel vm2, v14, v12;
	v31 =	vsel vm2, v41, v43;
	v33 =	vsel vm2, $0x40, v34  }
0x257: {  	v3 =	vld.idx.msk [tilespmem:v3+s10+$0x0], $0xffff;
	v37 =	vsel vm2, v13, v9;
	vm3 =	vle.f32 v22, v50;
	v36 =	vor.u32 $0x20, v33  }
0x258: {  	v35 =	vsel vm0, v35, v28;
	v6 =	vsel vm3, v6, v21;
	v51 =	vsel vm3, v36, v33  }
0x259: {  	v47 =	vsel vm3, v23, v37;
	v22 =	vsel vm3, v54, v31;
	v23 =	vadd.s32 $0x4, v1  }
0x25a: {  	vm2 =	vle.f32 v47, v50;
	v21 =	vor.u32 $0x10, v51;
	v4 =	vmul.f32 v48, v4  }
0x25b: {  	v1 =	vsel vm1, v23, v1;
	v47 =	vsel vm2, v21, v51;
	v6 =	vsel vm2, v6, v22  }
0x25c: {  	vm2 =	vle.f32 v6, v50;
	v16 =	vadd.f32 v4, v3;
	v3 =	vor.u32 $0x8, v47  }
0x25d: {  	v12 =	vsel vm0, v14, v12;
	v6 =	vsel vm2, v3, v47;
	v3 =	vshll.u32 v1, $0x5  }
0x25e: {  	v14 =	vsel vm0, v13, v9;
	v33 =	vsel vm0, $0x40, v34;
	v3 =	vadd.s32 v32, v3  }
0x25f: {  	v31 =	vshll.u32 v5, $0x5;
	vm1 =	veq.s32 v5, $0x0;
	v36 =	vor.u32 $0x20, v33  }
0x260: {  	v23 =	vsel vm0, v39, v19;
	v22 =	vsel vm0, v17, v8;
	v4 =	vshll.u32 v59, $0x5  }
0x261: {  	v37 =	vld.idx.msk [tilespmem:v62+s2+$0x0], $0xffff;
	v4 =	vadd.s32 v15, v4;
	vm2 =	veq.s32 v5, $0x64;
	v47 =	vshll.u32 v6, $0x5  }
0x262: {  	v13 =	vld [tilespmem:$0x1FF00];
	[tilespmem:$0x1FEB0] =	vst v8;
	v5 =	vadd.s32 v2, v31;
	v31 =	vsel vm0, v38, v11;
	v47 =	vadd.s32 v10, v47  }
0x263: {  	vm2 =	vmor vm1, vm2;
	v57 =	vsel vm1, v30, v5;
	vm1 =	vle.f32 v35, v49;
	v3 =	vld.idx.msk [tilespmem:v3+s2+$0x0], $0xffff;
	[tilespmem:$0x1FEC0] =	vst v11  }
0x264: {  	v2 =	vld [tilespmem:$0x1FF10];
	v48 =	vsel vm1, v36, v33;
	v21 =	vsel vm1, v12, v14;
	v62 =	vsel vm1, v22, v23;
	[tilespmem:$0x1FED0] =	vst v38  }
0x265: {  	v33 =	vsel vm0, v41, v43;
	v5 =	vsel vm2, v18, v5;
	v12 =	vld [tilespmem:$0x1FFC0];
	vm2 =	veq.s32 v55, $0x64;
	[tilespmem:$0x1FEE0] =	vst v43  }
0x266: {  	v54 =	vsel vm1, v31, v33;
	vm1 =	veq.s32 v55, $0x0;
	v55 =	vshll.u32 v55, $0x5;
	[tilespmem:$0x1FEF0] =	vst v41;
	v11 =	vld [tilespmem:$0x1FF60]  }
0x267: {  	v55 =	vadd.s32 v29, v55;
	v47 =	vld.idx.msk [tilespmem:v47+s2+$0x0], $0xffff  }
0x268: {  	v40 =	vshll.u32 v61, $0x5;
	v0 =	vsel vm1, v26, v55;
	v4 =	vld.idx.msk [tilespmem:v4+s2+$0x0], $0xffff  }
0x269: {  	v42 =	vlaneseq.u32;
	vm0 =	vle.f32 v37, v46;
	v36 =	vshll.u32 v13, $0x5;
	v38 =	vld.idx.msk [tilespmem:v57+s2+$0x0], $0xffff;
	[tilespmem:s19+$0x10] =	vst v2  }
0x26a: {  	vm3 =	vle.f32 v21, v49;
	v30 =	vor.u32 $0x10, v48;
	v51 =	vor.u32 v12, v36;
	v2 =	vld [tilespmem:$0x1FF20]  }
0x26b: {  	v37 =	vadd.s32 $0x4, v58;
	v48 =	vsel vm3, v30, v48;
	v62 =	vsel vm3, v62, v54;
	v5 =	vld.idx.msk [tilespmem:v5+s15+$0x0], $0xffff  }
0x26c: {  	v54 =	vsel vm0, v37, v58;
	vm0 =	vmor vm1, vm2;
	vm1 =	vle.f32 v62, v49;
	v57 =	vld.idx.msk [tilespmem:v57+s10+$0x0], $0xffff  }
0x26d: {  	v33 =	vshll.u32 v54, $0x5;
	v41 =	vsel vm0, v7, v55;
	v14 =	vld.idx.msk [tilespmem:v0+s2+$0x0], $0xffff;
	v35 =	vadd.s32 v11, v40  }
0x26e: {  	v36 =	vld.idx.msk [tilespmem:v0+s10+$0x0], $0xffff;
	vm2 =	vle.f32 v3, v53;
	v3 =	vadd.s32 $0x2, v1;
	v37 =	vadd.s32 v11, v33  }
0x26f: {  	v55 =	vadd.s32 $0x4, v59;
	v3 =	vsel vm2, v3, v1;
	v43 =	vld.idx.msk [tilespmem:v51+s2+$0x0], $0xffff;
	v58 =	vsub.f32 v60, v38;
	[tilespmem:s20+$0x10] =	vst v2  }
0x270: {  	vm0 =	vle.f32 v47, v50;
	vm2 =	vle.f32 v4, v52;
	v1 =	vshll.u32 v3, $0x5;
	v0 =	vld [tilespmem:$0x1FF30]  }
0x271: {  	v4 =	vadd.s32 $0x4, v6;
	v9 =	vor.u32 v42, v1;
	v21 =	vmul.f32 v58, v5;
	v2 =	vld [tilespmem:$0x1FF40]  }
0x272: {  	v23 =	vld.idx.msk [tilespmem:v41+s15+$0x0], $0xffff;
	v1 =	vsel vm0, v4, v6;
	v6 =	vor.u32 $0x8, v48;
	v4 =	vsel vm2, v55, v59  }
0x273: {  	v55 =	vsel vm1, v6, v48;
	v6 =	vshll.u32 v1, $0x5;
	v39 =	vld.idx.msk [tilespmem:v35+s2+$0x0], $0xffff;
	v57 =	vadd.f32 v21, v57  }
0x274: {  	v22 =	vadd.s32 $0x2, v61;
	v5 =	vshll.u32 v4, $0x5;
	v6 =	vadd.s32 v11, v6  }
0x275: {  	v30 =	vadd.s32 v32, v5;
	v31 =	vshll.u32 v55, $0x5;
	vm1 =	vle.f32 v43, v44;
	[tilespmem:s24+$0xFFFFFFE0] =	vst v57  }
0x276: {  	v47 =	vadd.s32 $0x2, v54;
	v35 =	vadd.s32 v10, v31;
	v60 =	vld.idx.msk [tilespmem:v9+s2+$0x0], $0xffff;
	v38 =	vsub.f32 v0, v14;
	[tilespmem:s21+$0x10] =	vst v2  }
0x277: {  	v27 =	vmovc v10;
	v8 =	vmovc v26;
	v5 =	vadd.s32 $0x2, v4;
	v51 =	vadd.s32 $0x4, v55;
	v0 =	vsel vm1, $0x1, v34;
	v2 =	vld [tilespmem:$0x1FF50]  }
0x278: {  	v56 =	vld.idx.msk [tilespmem:v37+s2+$0x0], $0xffff;
	vm0 =	vle.f32 v39, v45;
	v39 =	vadd.s32 v0, v13;
	v59 =	vmul.f32 v38, v23  }
0x279: {  	v17 =	vmovc v15;
	v26 =	vmovc v12;
	v0 =	vld.idx.msk [tilespmem:v6+s2+$0x0], $0xffff;
	v48 =	vsel vm0, v22, v61;
	vm1 =	veq.s32 v39, $0x0;
	v42 =	vshll.u32 v39, $0x5  }
0x27a: {  	v40 =	vmovc v18;
	v18 =	vmovc v32;
	v6 =	vld.idx.msk [tilespmem:v30+s2+$0x0], $0xffff;
	vm2 =	veq.s32 v39, $0x64;
	v41 =	vshll.u32 v48, $0x5;
	v43 =	vadd.s32 v29, v42  }
0x27b: {  	[tilespmem:s23+$0x10] =	vst v16;
	v57 =	vld.idx.msk [tilespmem:v35+s2+$0x0], $0xffff;
	vm2 =	vmor vm1, vm2;
	v59 =	vadd.f32 v59, v36;
	vm0 =	vle.f32 v60, v53  }
0x27c: {  	s26 =	simm.s32 $0xC;
	v58 =	vld [tilespmem:s28+$0xFFFFFFF0];
	s28 =	simm.s32 $0x2AC0;
	v63 =	vor.u32 v12, v41;
	v62 =	vsel vm1, v8, v43;
	v61 =	vsel vm2, v7, v43;
	[tilespmem:s22+$0x10] =	vst v2  }
.LBB2_6:
0x27d: {  	v7 =	vld [tilespmem:s28+$0x0]  }
0x27e: {  	v60 =	vsel vm0, $0x1, v34;
	vm0 =	vle.f32 v0, v50;
	v0 =	vld [tilespmem:s28+$0xFFFFFFE0]  }
0x27f: {  	v39 =	vld [tilespmem:$0x1FFA0]  }
0x280: {  	v23 =	vld [tilespmem:$0x1FFB0]  }
0x281: {  	v9 =	vld [tilespmem:$0x1FDA0]  }
0x282: {  	v38 =	vld [tilespmem:$0x1FE40]  }
0x283: {  	v25 =	vld [tilespmem:$0x1FE50]  }
0x284: {  	v2 =	vld [tilespmem:$0x1FDB0]  }
0x285: {  	v28 =	vld [tilespmem:$0x1FCB0]  }
0x286: {  	v36 =	vld [tilespmem:$0x1FCC0]  }
0x287: {  	v20 =	vld [tilespmem:$0x1FE60]  }
0x288: {  	v35 =	vld [tilespmem:$0x1FDD0]  }
0x289: {  	v19 =	vld [tilespmem:$0x1FDC0]  }
0x28a: {  	v30 =	vld [tilespmem:$0x1FDE0]  }
0x28b: {  	v8 =	vadd.s32 $0x2, v1;
	vm1 =	vle.f32 v6, v52;
	v31 =	vld [tilespmem:$0x1FDF0]  }
0x28c: {  	v33 =	vlaneseq.u32;
	v37 =	vld [tilespmem:$0x1FE00];
	v3 =	vadd.s32 v60, v3;
	v1 =	vsel vm0, v8, v1  }
0x28d: {  	v24 =	vld [tilespmem:$0x1FE10];
	v4 =	vsel vm1, v5, v4;
	v5 =	vshll.u32 v3, $0x5;
	v6 =	vshll.u32 v1, $0x5  }
0x28e: {  	v32 =	vld [tilespmem:$0x1FE20];
	vm0 =	veq.s32 v3, $0x0;
	v8 =	vshll.u32 v4, $0x5;
	vm1 =	veq.s32 v3, $0x64  }
0x28f: {  	v22 =	vld [tilespmem:$0x1FE30];
	[tilespmem:s19+$0xFFFFFFF0] =	vst v59;
	v6 =	vor.u32 v26, v6;
	v8 =	vor.u32 v33, v8;
	v5 =	vadd.s32 v39, v5  }
0x290: {  	v60 =	vld.idx.msk [tilespmem:v62+s10+$0x0], $0xffff;
	vm1 =	vmor vm0, vm1;
	v59 =	vmovc v58;
	vm2 =	vle.f32 v9, v7;
	v3 =	vsel vm0, v23, v5  }
0x291: {  	v58 =	vld.idx.msk [tilespmem:v62+s2+$0x0], $0xffff;
	vm0 =	vle.f32 v9, v0;
	v62 =	vsel vm2, v25, v38;
	v5 =	vsel vm1, v40, v5  }
0x292: {  	v29 =	vld [tilespmem:$0x1FF70];
	v9 =	vsel vm2, v28, v2;
	v10 =	vsel vm2, v20, v36;
	v12 =	vsel vm2, $0x40, v34  }
0x293: {  	v13 =	vsel vm2, v31, v30;
	v14 =	vsel vm2, v24, v37;
	v37 =	vsel vm0, v24, v37;
	v24 =	vld [tilespmem:$0x1FC80]  }
0x294: {  	v15 =	vsel vm2, v22, v32;
	vm1 =	vle.f32 v13, v7;
	v41 =	vor.u32 $0x20, v12;
	v6 =	vld.idx.msk [tilespmem:v6+s2+$0x0], $0xffff  }
0x295: {  	v11 =	vsel vm2, v19, v35;
	v12 =	vsel vm1, v41, v12;
	v43 =	vsel vm1, v14, v15;
	v8 =	vld.idx.msk [tilespmem:v8+s2+$0x0], $0xffff  }
0x296: {  	v9 =	vsel vm1, v62, v9;
	v41 =	vld [tilespmem:$0x1FF90];
	vm2 =	vle.f32 v43, v7;
	v62 =	vor.u32 $0x10, v12  }
0x297: {  	v12 =	vsel vm2, v62, v12;
	v62 =	vsel vm0, v22, v32;
	v22 =	vsel vm0, v28, v2;
	v28 =	vld [tilespmem:$0x1FE90]  }
0x298: {  	v10 =	vsel vm1, v10, v11;
	v2 =	vld [tilespmem:$0x1FEA0]  }
0x299: {  	v9 =	vsel vm2, v9, v10;
	v16 =	vld.idx.msk [tilespmem:v3+s2+$0x0], $0xffff  }
0x29a: {  	v42 =	vimm.s32 $0x0;
	v5 =	vld.idx.msk [tilespmem:v5+s15+$0x0], $0xffff;
	vm2 =	vle.f32 v9, v7;
	v21 =	vor.u32 $0x8, v12  }
0x29b: {  	v14 =	vsel vm0, v31, v30;
	v3 =	vld.idx.msk [tilespmem:v3+s10+$0x0], $0xffff;
	v9 =	vsel vm2, v21, v12;
	vm2 =	vle.f32 v6, v50  }
0x29c: {  	v21 =	vsel vm0, v25, v38;
	v25 =	vld [tilespmem:$0x1FED0];
	v6 =	vshll.u32 v9, $0x5;
	v31 =	vsel vm2, $0x1, v42  }
0x29d: {  	v38 =	vld [tilespmem:$0x1FEE0];
	v6 =	vadd.s32 v17, v6;
	v1 =	vadd.s32 v31, v1  }
0x29e: {  	v31 =	vsel vm0, v19, v35;
	v19 =	vld [tilespmem:$0x1FEC0];
	v30 =	vsub.f32 v53, v16;
	v43 =	vshll.u32 v1, $0x5  }
0x29f: {  	v10 =	vadd.s32 v29, v43;
	v43 =	vld [tilespmem:$0x1FF80]  }
0x2a0: {  	vm2 =	veq.s32 v1, $0x0;
	v5 =	vmul.f32 v30, v5;
	v30 =	vsel vm0, v20, v36;
	v20 =	vld [tilespmem:$0x1FEB0]  }
0x2a1: {  	v11 =	vsel vm0, $0x40, v42;
	vm3 =	veq.s32 v1, $0x64;
	v1 =	vsel vm2, v41, v10;
	v36 =	vld [tilespmem:$0x1FCD0]  }
0x2a2: {  	s19 =	smov.u32 s20;
	s20 =	smov.u32 s21;
	s21 =	smov.u32 s22;
	vm1 =	vle.f32 v14, v0;
	v53 =	vmovc v7;
	v7 =	vor.u32 $0x20, v11;
	v6 =	vld.idx.msk [tilespmem:v6+s2+$0x0], $0xffff;
	v3 =	vadd.f32 v5, v3  }
0x2a3: {  	s22 =	smov.u32 s23;
	s23 =	smov.u32 s24;
	s24 =	sadd.s32 $0x40, s24;
	v32 =	vsel vm1, v30, v31;
	v31 =	vld [tilespmem:$0x1FD50];
	v5 =	vsel vm1, v7, v11;
	v7 =	vsel vm1, v37, v62  }
0x2a4: {  	v62 =	vld [tilespmem:$0x1FD20];
	v11 =	vor.u32 $0x10, v5;
	vm0 =	vle.f32 v7, v0;
	v7 =	vsel vm1, v21, v22;
	[tilespmem:s24+$0x0] =	vst v3  }
0x2a5: {  	v5 =	vsel vm0, v11, v5;
	v7 =	vsel vm0, v7, v32;
	v15 =	vld [tilespmem:s25+$0x10]  }
0x2a6: {  	vm0 =	vle.f32 v8, v52;
	v8 =	vld.idx.msk [tilespmem:v1+s2+$0x0], $0xffff;
	vm1 =	vle.f32 v7, v0;
	v7 =	vor.u32 $0x8, v5  }
0x2a7: {  	vm2 =	vmor vm2, vm3;
	v5 =	vsel vm1, v7, v5;
	v7 =	vld [tilespmem:$0x1FE80]  }
0x2a8: {  	v3 =	vsel vm2, v43, v10;
	v32 =	vld [tilespmem:$0x1FD30];
	v34 =	vsel vm0, $0x1, v42  }
0x2a9: {  	v4 =	vadd.s32 v34, v4;
	v34 =	vld [tilespmem:$0x1FD40]  }
0x2aa: {  	v22 =	vld [tilespmem:$0x1FEF0]  }
0x2ab: {  	v30 =	vld [tilespmem:$0x1FD60];
	vm1 =	vle.f32 v6, v53;
	v6 =	vadd.s32 $0x4, v9  }
0x2ac: {  	v37 =	vshll.u32 v4, $0x5;
	v8 =	vsub.f32 v50, v8;
	vm2 =	vle.f32 v7, v15  }
0x2ad: {  	v3 =	vld.idx.msk [tilespmem:v3+s15+$0x0], $0xffff;
	vm0 =	vle.f32 v7, v59;
	v7 =	vsel vm2, v28, v20;
	v10 =	vsel vm2, v24, v2  }
0x2ae: {  	v11 =	vsel vm2, v25, v19;
	v12 =	vsel vm2, v32, v62;
	v13 =	vsel vm2, v31, v34  }
0x2af: {  	v1 =	vld.idx.msk [tilespmem:v1+s10+$0x0], $0xffff;
	v14 =	vsel vm2, v22, v38;
	v16 =	vsel vm2, $0x40, v42;
	v42 =	vsel vm0, $0x40, v42  }
0x2b0: {  	v50 =	vmovc v15;
	vm3 =	vle.f32 v12, v15;
	v35 =	vor.u32 $0x20, v16;
	v15 =	vsel vm2, v36, v30  }
0x2b1: {  	v7 =	vsel vm3, v7, v10;
	v21 =	vsel vm3, v35, v16;
	v35 =	vsel vm3, v13, v15  }
0x2b2: {  	v3 =	vmul.f32 v8, v3;
	v11 =	vsel vm3, v11, v14;
	v15 =	vsel vm0, v25, v19  }
0x2b3: {  	v16 =	vsel vm0, v22, v38;
	vm2 =	vle.f32 v35, v50;
	v8 =	vor.u32 $0x10, v21  }
0x2b4: {  	v8 =	vsel vm2, v8, v21;
	v7 =	vsel vm2, v7, v11;
	v1 =	vadd.f32 v3, v1  }
0x2b5: {  	v3 =	vsel vm1, v6, v9;
	vm1 =	vle.f32 v7, v50;
	v6 =	vor.u32 $0x8, v8  }
0x2b6: {  	v7 =	vshll.u32 v5, $0x5;
	v9 =	vshll.u32 v3, $0x5;
	v6 =	vsel vm1, v6, v8  }
0x2b7: {  	[tilespmem:s23+$0x10] =	vst v1;
	v1 =	vadd.s32 v17, v7;
	v7 =	vadd.s32 v18, v9;
	v8 =	vshll.u32 v6, $0x5  }
0x2b8: {  	vm2 =	veq.s32 v4, $0x64;
	vm1 =	veq.s32 v4, $0x0;
	v8 =	vadd.s32 v27, v8  }
0x2b9: {  	v21 =	vsel vm0, v32, v62;
	v4 =	vadd.s32 v39, v37;
	vm2 =	vmor vm1, vm2  }
0x2ba: {  	v9 =	vadd.s32 $0x4, v5;
	v10 =	vsel vm1, v23, v4;
	v4 =	vsel vm2, v40, v4  }
0x2bb: {  	v37 =	vsel vm0, v31, v34;
	v34 =	vimm.s32 $0x0;
	v39 =	vsel vm0, v36, v30  }
0x2bc: {  	v23 =	vor.u32 $0x20, v42;
	vm1 =	vle.f32 v21, v59;
	v21 =	vsel vm0, v24, v2;
	v7 =	vld.idx.msk [tilespmem:v7+s2+$0x0], $0xffff  }
0x2bd: {  	v2 =	vlaneseq.u32;
	v11 =	vsel vm1, v23, v42;
	v12 =	vsel vm1, v37, v39;
	v8 =	vld.idx.msk [tilespmem:v8+s2+$0x0], $0xffff  }
0x2be: {  	v42 =	vsel vm0, v28, v20;
	vm0 =	vle.f32 v12, v59;
	v30 =	vor.u32 $0x10, v11;
	v1 =	vld.idx.msk [tilespmem:v1+s2+$0x0], $0xffff  }
0x2bf: {  	v13 =	vsel vm1, v42, v21;
	v31 =	vld.idx.msk [tilespmem:v4+s15+$0x0], $0xffff;
	v4 =	vsel vm1, v15, v16;
	vm1 =	vle.f32 v57, v49  }
0x2c0: {  	v11 =	vsel vm0, v30, v11;
	v16 =	vld [tilespmem:$0x1FF60];
	v4 =	vsel vm0, v13, v4;
	v32 =	vsel vm1, v51, v55  }
0x2c1: {  	v23 =	vld.idx.msk [tilespmem:v10+s2+$0x0], $0xffff;
	vm1 =	vle.f32 v4, v59;
	vm0 =	vle.f32 v7, v53;
	v7 =	vadd.s32 $0x2, v3  }
0x2c2: {  	v4 =	vadd.s32 $0x4, v6;
	v3 =	vsel vm0, v7, v3;
	vm0 =	vle.f32 v8, v50  }
0x2c3: {  	v63 =	vld.idx.msk [tilespmem:v63+s2+$0x0], $0xffff;
	vm2 =	vle.f32 v1, v0;
	v7 =	vshll.u32 v3, $0x5;
	v1 =	vsel vm0, v4, v6  }
0x2c4: {  	v4 =	vsel vm2, v9, v5;
	v6 =	vor.u32 v33, v7;
	v7 =	vshll.u32 v1, $0x5  }
0x2c5: {  	v39 =	vsub.f32 v44, v58;
	v10 =	vld.idx.msk [tilespmem:v10+s10+$0x0], $0xffff;
	v8 =	vshll.u32 v4, $0x5;
	v7 =	vadd.s32 v16, v7  }
0x2c6: {  	v12 =	vor.u32 $0x8, v11;
	v33 =	vsub.f32 v52, v23;
	v8 =	vadd.s32 v18, v8  }
0x2c7: {  	v35 =	vshll.u32 v32, $0x5;
	v15 =	vadd.s32 $0x2, v32;
	v55 =	vsel vm1, v12, v11  }
0x2c8: {  	v61 =	vld.idx.msk [tilespmem:v61+s15+$0x0], $0xffff;
	vm1 =	vle.f32 v63, v45;
	v52 =	vmovc v0;
	v0 =	vshll.u32 v55, $0x5;
	v9 =	vmul.f32 v33, v31  }
0x2c9: {  	s26 =	sadd.s32 $0x2, s26;
	v38 =	vsel vm1, $0x1, v34;
	vm0 =	vle.f32 v56, v46;
	v36 =	vadd.s32 v27, v0;
	v37 =	vld.idx.msk [tilespmem:v6+s2+$0x0], $0xffff  }
0x2ca: {  	p0 =	slt.u32 s26, $0x7E;
	v11 =	vadd.s32 v16, v35;
	v9 =	vadd.f32 v9, v10;
	v0 =	vld.idx.msk [tilespmem:v7+s2+$0x0], $0xffff;
	v7 =	vsel vm0, v47, v54  }
.Ltmp2:
0x2cb: {  	v44 =	vmovc v45;
	v51 =	vadd.s32 $0x4, v55;
	v10 =	vadd.s32 v38, v48;
	v6 =	vld.idx.msk [tilespmem:v8+s2+$0x0], $0xffff;
	v8 =	vshll.u32 v7, $0x5;
	(pc) =	sbr.rel @p0 .LBB2_6-.Ltmp2, $4  }
0x2cc: {  	v45 =	vmovc v46;
	v46 =	vmovc v49;
	vm1 =	veq.s32 v10, $0x64;
	[tilespmem:s24+$0xFFFFFFE0] =	vst v9;
	v63 =	vor.u32 v26, v8;
	v8 =	vshll.u32 v10, $0x5  }
0x2cd: {  	v49 =	vmovc v59;
	vm0 =	veq.s32 v10, $0x0;
	v48 =	vmovc v7;
	v58 =	vld [tilespmem:s25+$0xFFFFFFF0];
	v7 =	vadd.s32 v29, v8;
	v8 =	vmul.f32 v39, v61  }
0x2ce: {  	v5 =	vadd.s32 $0x2, v4;
	v54 =	vmovc v32;
	v47 =	vmovc v15;
	v57 =	vld.idx.msk [tilespmem:v36+s2+$0x0], $0xffff;
	vm1 =	vmor vm0, vm1;
	v62 =	vsel vm0, v41, v7  }
0x2cf: {  	s25 =	smov.u32 s28;
	s28 =	sadd.s32 $0x40, s28;
	v56 =	vld.idx.msk [tilespmem:v11+s2+$0x0], $0xffff;
	vm0 =	vle.f32 v37, v53;
	v61 =	vsel vm1, v43, v7;
	v59 =	vadd.f32 v8, v60  }
0x2d0: {  	v22 =	vld [tilespmem:$0x1FFA0]  }
0x2d1: {  	v24 =	vld [tilespmem:$0x1FFB0]  }
0x2d2: {  	v7 =	vsel vm0, $0x1, v34  }
0x2d3: {  	v3 =	vadd.s32 v7, v3  }
0x2d4: {  	v7 =	vshll.u32 v3, $0x5  }
0x2d5: {  	vm4 =	veq.s32 v3, $0x0;
	v7 =	vadd.s32 v22, v7  }
0x2d6: {  	vm1 =	veq.s32 v3, $0x64;
	v43 =	vsel vm4, v24, v7  }
0x2d7: {  	vm0 =	vmor vm4, vm1  }
0x2d8: {  	vm5 =	vle.f32 v6, v52;
	v6 =	vsel vm0, v40, v7;
	_ =	sdelay $0x2  }
0x2d9: {  	v7 =	vld.idx.msk [tilespmem:v43+s2+$0x0], $0xffff;
	_ =	sdelay $0x1  }
0x2da: {  	v6 =	vld.idx.msk [tilespmem:v6+s15+$0x0], $0xffff;
	_ =	sdelay $0x1  }
0x2db: {  	v4 =	vsel vm5, v5, v4;
	v3 =	vld.idx.msk [tilespmem:v43+s10+$0x0], $0xffff  }
0x2dc: {  	v5 =	vshll.u32 v4, $0x5;
	v7 =	vsub.f32 v53, v7  }
0x2dd: {  	v5 =	vor.u32 v2, v5  }
0x2de: {  	v6 =	vmul.f32 v7, v6;
	_ =	sdelay $0x1  }
0x2df: {  	v3 =	vadd.f32 v6, v3  }
0x2e0: {  	s26 =	sadd.s32 $0x40, s24  }
0x2e1: {  	v5 =	vld.idx.msk [tilespmem:v5+s2+$0x0], $0xffff;
	[tilespmem:s26+$0x0] =	vst v3  }
0x2e2: {  	v3 =	vld [tilespmem:s25+$0x10]  }
0x2e3: {  	v28 =	vld [tilespmem:$0x1FE80]  }
0x2e4: {  	v53 =	vld [tilespmem:$0x1FEB0]  }
0x2e5: {  	v19 =	vld [tilespmem:$0x1FE90]  }
0x2e6: {  	v23 =	vld [tilespmem:$0x1FEA0]  }
0x2e7: {  	v13 =	vld [tilespmem:$0x1FC80]  }
0x2e8: {  	v43 =	vld [tilespmem:$0x1FEC0]  }
0x2e9: {  	v15 =	vld [tilespmem:$0x1FED0]  }
0x2ea: {  	vm6 =	vle.f32 v5, v52;
	v29 =	vld [tilespmem:$0x1FD20]  }
0x2eb: {  	v5 =	vsel vm6, $0x1, v34;
	v33 =	vld [tilespmem:$0x1FD30]  }
0x2ec: {  	v4 =	vadd.s32 v5, v4;
	v20 =	vld [tilespmem:$0x1FD40]  }
0x2ed: {  	v5 =	vshll.u32 v4, $0x5;
	v21 =	vld [tilespmem:$0x1FD50]  }
0x2ee: {  	vm7 =	veq.s32 v4, $0x0;
	v5 =	vadd.s32 v22, v5;
	v31 =	vld [tilespmem:$0x1FD60]  }
0x2ef: {  	vm8 =	veq.s32 v4, $0x64;
	v4 =	vsel vm7, v24, v5;
	v14 =	vld [tilespmem:$0x1FCD0]  }
0x2f0: {  	vm0 =	vmor vm7, vm8;
	v39 =	vld [tilespmem:$0x1FEE0]  }
0x2f1: {  	v5 =	vsel vm0, v40, v5;
	v37 =	vld [tilespmem:$0x1FEF0];
	vm9 =	vle.f32 v28, v3  }
0x2f2: {  	v6 =	vsel vm9, v19, v53  }
0x2f3: {  	v7 =	vsel vm9, v13, v23;
	v8 =	vsel vm9, v15, v43;
	v9 =	vsel vm9, v33, v29  }
0x2f4: {  	v10 =	vsel vm9, v21, v20;
	v11 =	vsel vm9, $0x40, v34;
	vm10 =	vle.f32 v9, v3;
	v9 =	vld.idx.msk [tilespmem:v4+s2+$0x0], $0xffff  }
0x2f5: {  	v12 =	vor.u32 $0x20, v11;
	v6 =	vsel vm10, v6, v7;
	v7 =	vsel vm9, v14, v31  }
0x2f6: {  	v5 =	vld.idx.msk [tilespmem:v5+s15+$0x0], $0xffff;
	v11 =	vsel vm10, v12, v11;
	v12 =	vsel vm9, v37, v39;
	v7 =	vsel vm10, v10, v7  }
0x2f7: {  	v8 =	vsel vm10, v8, v12;
	vm11 =	vle.f32 v7, v3;
	v7 =	vor.u32 $0x10, v11  }
0x2f8: {  	v4 =	vld.idx.msk [tilespmem:v4+s10+$0x0], $0xffff;
	v7 =	vsel vm11, v7, v11;
	v6 =	vsel vm11, v6, v8  }
0x2f9: {  	vm12 =	vle.f32 v6, v3;
	v6 =	vor.u32 $0x8, v7;
	v8 =	vsub.f32 v52, v9  }
0x2fa: {  	v6 =	vsel vm12, v6, v7  }
0x2fb: {  	v7 =	vshll.u32 v6, $0x5;
	v5 =	vmul.f32 v8, v5  }
0x2fc: {  	vm14 =	vle.f32 v0, v50;
	vm13 =	vle.f32 v28, v58;
	v7 =	vadd.s32 v27, v7  }
0x2fd: {  	v38 =	vadd.s32 $0x2, v1;
	v41 =	vsel vm13, v33, v29;
	v4 =	vadd.f32 v5, v4  }
0x2fe: {  	v0 =	vsel vm14, v38, v1;
	v42 =	vsel vm13, v21, v20;
	vm15 =	vle.f32 v41, v58  }
0x2ff: {  	v10 =	vsel vm13, v15, v43;
	v11 =	vsel vm13, v37, v39;
	v5 =	vsel vm13, $0x40, v34;
	[tilespmem:s26+$0xFFFFFFE0] =	vst v4  }
0x300: {  	v9 =	vshll.u32 v0, $0x5;
	v8 =	vor.u32 $0x20, v5;
	v4 =	vsel vm13, v14, v31;
	v30 =	vld [tilespmem:s25+$0xFFFFFFF0]  }
0x301: {  	v5 =	vsel vm15, v8, v5;
	v8 =	vsel vm13, v13, v23;
	v1 =	vsel vm15, v42, v4;
	v7 =	vld.idx.msk [tilespmem:v7+s2+$0x0], $0xffff  }
0x302: {  	v4 =	vsel vm13, v19, v53;
	v52 =	vor.u32 $0x10, v5;
	vm4 =	vle.f32 v1, v58  }
0x303: {  	v4 =	vsel vm15, v4, v8;
	v1 =	vsel vm4, v52, v5;
	v5 =	vsel vm15, v10, v11  }
0x304: {  	v8 =	vor.u32 v26, v9;
	v4 =	vsel vm4, v4, v5;
	v5 =	vor.u32 $0x8, v1  }
0x305: {  	vm0 =	vle.f32 v4, v58;
	v4 =	vadd.s32 $0x4, v6;
	vm2 =	vle.f32 v28, v30  }
0x306: {  	vm5 =	vle.f32 v7, v3;
	v7 =	vsel vm2, $0x40, v34;
	v9 =	vsel vm2, v33, v29  }
0x307: {  	v10 =	vsel vm2, v14, v31;
	v11 =	vsel vm2, v15, v43;
	v4 =	vsel vm5, v4, v6  }
0x308: {  	v6 =	vor.u32 $0x20, v7;
	vm6 =	vle.f32 v9, v30;
	v9 =	vsel vm2, v21, v20  }
0x309: {  	v12 =	vsel vm2, v37, v39;
	v6 =	vsel vm6, v6, v7;
	v7 =	vsel vm6, v9, v10  }
0x30a: {  	v9 =	vsel vm2, v19, v53;
	v10 =	vsel vm2, v13, v23;
	vm7 =	vle.f32 v7, v30  }
0x30b: {  	v7 =	vor.u32 $0x10, v6;
	v9 =	vsel vm6, v9, v10;
	v10 =	vsel vm6, v11, v12  }
0x30c: {  	v1 =	vsel vm0, v5, v1;
	v6 =	vsel vm7, v7, v6;
	v7 =	vsel vm7, v9, v10  }
0x30d: {  	v11 =	vshll.u32 v4, $0x5;
	v5 =	vor.u32 $0x8, v6;
	vm8 =	vle.f32 v7, v30  }
0x30e: {  	v9 =	vshll.u32 v1, $0x5;
	v7 =	vadd.s32 v16, v11;
	v5 =	vsel vm8, v5, v6  }
0x30f: {  	v6 =	vadd.s32 v27, v9;
	v9 =	vshll.u32 v5, $0x5  }
0x310: {  	v8 =	vld.idx.msk [tilespmem:v8+s2+$0x0], $0xffff;
	v9 =	vadd.s32 v27, v9;
	_ =	sdelay $0x2  }
0x311: {  	vm9 =	vle.f32 v57, v49;
	v7 =	vld.idx.msk [tilespmem:v7+s2+$0x0], $0xffff  }
0x312: {  	v10 =	vsel vm9, v51, v55;
	v6 =	vld.idx.msk [tilespmem:v6+s2+$0x0], $0xffff  }
0x313: {  	vm10 =	vle.f32 v8, v50;
	v8 =	vshll.u32 v10, $0x5;
	v9 =	vld.idx.msk [tilespmem:v9+s2+$0x0], $0xffff  }
0x314: {  	v8 =	vadd.s32 v16, v8;
	_ =	sdelay $0x1  }
0x315: {  	vm14 =	vle.f32 v56, v46;
	v12 =	vadd.s32 $0x4, v1  }
0x316: {  	v11 =	vsel vm10, $0x1, v34;
	vm11 =	vle.f32 v7, v3;
	vm12 =	vle.f32 v6, v58  }
0x317: {  	v53 =	vld [tilespmem:$0x1FF70];
	v6 =	vadd.s32 $0x4, v5;
	v1 =	vsel vm12, v12, v1;
	vm13 =	vle.f32 v9, v30  }
0x318: {  	v8 =	vld.idx.msk [tilespmem:v8+s2+$0x0], $0xffff;
	v7 =	vadd.s32 $0x2, v4;
	v9 =	vshll.u32 v1, $0x5;
	v5 =	vsel vm13, v6, v5  }
0x319: {  	v4 =	vsel vm11, v7, v4;
	v6 =	vld.idx.msk [tilespmem:v63+s2+$0x0], $0xffff;
	v7 =	vadd.s32 v16, v9;
	v9 =	vshll.u32 v5, $0x5  }
0x31a: {  	v55 =	vld [tilespmem:$0x1FF90];
	v0 =	vadd.s32 v11, v0;
	v11 =	vshll.u32 v4, $0x5;
	v9 =	vadd.s32 v16, v9  }
0x31b: {  	v57 =	vld [tilespmem:$0x1FF80];
	v13 =	vsel vm14, v47, v54;
	v11 =	vor.u32 v26, v11  }
0x31c: {  	v14 =	vshll.u32 v13, $0x5;
	vm15 =	veq.s32 v0, $0x0;
	vm4 =	veq.s32 v0, $0x64  }
0x31d: {  	vm0 =	vmor vm15, vm4;
	vm6 =	vle.f32 v8, v49;
	v12 =	vshll.u32 v0, $0x5  }
0x31e: {  	v12 =	vadd.s32 v53, v12;
	vm5 =	vle.f32 v6, v45;
	v6 =	vor.u32 v26, v14;
	v7 =	vld.idx.msk [tilespmem:v7+s2+$0x0], $0xffff  }
0x31f: {  	v56 =	vsel vm15, v55, v12;
	v14 =	vadd.s32 $0x2, v10;
	v15 =	vsel vm5, $0x1, v34;
	v8 =	vld.idx.msk [tilespmem:v9+s2+$0x0], $0xffff  }
0x320: {  	v11 =	vld.idx.msk [tilespmem:v11+s2+$0x0], $0xffff;
	v10 =	vsel vm6, v14, v10;
	v9 =	vsel vm0, v57, v12;
	v12 =	vadd.s32 v15, v48  }
0x321: {  	v15 =	vshll.u32 v10, $0x5;
	vm7 =	veq.s32 v12, $0x0;
	v14 =	vshll.u32 v12, $0x5  }
0x322: {  	vm8 =	veq.s32 v12, $0x64;
	v12 =	vadd.s32 v53, v14;
	v14 =	vor.u32 v26, v15  }
0x323: {  	vm1 =	vmor vm7, vm8;
	v15 =	vadd.s32 $0x2, v1;
	v6 =	vld.idx.msk [tilespmem:v6+s2+$0x0], $0xffff;
	vm9 =	vle.f32 v7, v58  }
0x324: {  	v7 =	vadd.s32 $0x2, v5;
	v1 =	vsel vm9, v15, v1;
	vm10 =	vle.f32 v8, v30  }
0x325: {  	v23 =	vld.idx.msk [tilespmem:v62+s10+$0x0], $0xffff;
	vm11 =	vle.f32 v11, v3;
	v5 =	vsel vm10, v7, v5;
	v7 =	vshll.u32 v1, $0x5  }
0x326: {  	v0 =	vld.idx.msk [tilespmem:v56+s10+$0x0], $0xffff;
	v15 =	vsel vm11, $0x1, v34;
	v7 =	vor.u32 v26, v7;
	v63 =	vshll.u32 v5, $0x5  }
0x327: {  	v21 =	vsel vm7, v55, v12;
	v4 =	vadd.s32 v15, v4;
	v14 =	vld.idx.msk [tilespmem:v14+s2+$0x0], $0xffff;
	v15 =	vor.u32 v26, v63  }
0x328: {  	v11 =	vld.idx.msk [tilespmem:v61+s15+$0x0], $0xffff;
	v12 =	vsel vm1, v57, v12;
	v33 =	vshll.u32 v4, $0x5;
	vm12 =	vle.f32 v6, v46  }
0x329: {  	v8 =	vld.idx.msk [tilespmem:v62+s2+$0x0], $0xffff;
	vm13 =	veq.s32 v4, $0x0;
	vm14 =	veq.s32 v4, $0x64;
	v4 =	vsel vm12, $0x1, v34  }
0x32a: {  	v60 =	vmovc v26;
	v9 =	vld.idx.msk [tilespmem:v9+s15+$0x0], $0xffff;
	vm15 =	vmor vm13, vm14;
	v26 =	vadd.s32 v53, v33;
	v4 =	vadd.s32 v4, v13  }
0x32b: {  	v36 =	vsel vm15, v57, v26;
	v13 =	vsel vm13, v55, v26;
	vm4 =	veq.s32 v4, $0x0;
	v7 =	vld.idx.msk [tilespmem:v7+s2+$0x0], $0xffff  }
0x32c: {  	v37 =	vshll.u32 v4, $0x5;
	vm5 =	veq.s32 v4, $0x64;
	vm6 =	vle.f32 v14, v49;
	v4 =	vld.idx.msk [tilespmem:v15+s2+$0x0], $0xffff  }
0x32d: {  	v6 =	vld.idx.msk [tilespmem:v56+s2+$0x0], $0xffff;
	v14 =	vadd.s32 v53, v37;
	vm1 =	vmor vm4, vm5;
	v15 =	vsel vm6, $0x1, v34  }
0x32e: {  	v38 =	vld.idx.msk [tilespmem:v21+s2+$0x0], $0xffff;
	v32 =	vsel vm4, v55, v14;
	v14 =	vsel vm1, v57, v14;
	v10 =	vadd.s32 v15, v10  }
0x32f: {  	v12 =	vld.idx.msk [tilespmem:v12+s15+$0x0], $0xffff;
	vm7 =	veq.s32 v10, $0x0;
	v15 =	vshll.u32 v10, $0x5;
	vm8 =	veq.s32 v10, $0x64  }
0x330: {  	v10 =	vld.idx.msk [tilespmem:v21+s10+$0x0], $0xffff;
	v15 =	vadd.s32 v53, v15;
	vm1 =	vmor vm7, vm8;
	vm9 =	vle.f32 v7, v58  }
0x331: {  	v25 =	vmovc v40;
	v7 =	vld.idx.msk [tilespmem:v13+s2+$0x0], $0xffff;
	v39 =	vsel vm7, v55, v15;
	v40 =	vsel vm9, $0x1, v34;
	vm10 =	vle.f32 v4, v30  }
0x332: {  	v15 =	vsel vm1, v57, v15;
	v13 =	vld.idx.msk [tilespmem:v13+s10+$0x0], $0xffff;
	v1 =	vadd.s32 v40, v1;
	v41 =	vsel vm10, $0x1, v34  }
0x333: {  	v4 =	vld.idx.msk [tilespmem:v36+s15+$0x0], $0xffff;
	vm11 =	veq.s32 v1, $0x0;
	v42 =	vshll.u32 v1, $0x5;
	v5 =	vadd.s32 v41, v5  }
0x334: {  	v43 =	vld.idx.msk [tilespmem:v32+s2+$0x0], $0xffff;
	vm12 =	veq.s32 v1, $0x64;
	v47 =	vadd.s32 v53, v42;
	v48 =	vshll.u32 v5, $0x5  }
0x335: {  	v14 =	vld.idx.msk [tilespmem:v14+s15+$0x0], $0xffff;
	vm13 =	veq.s32 v5, $0x0;
	v51 =	vsel vm11, v55, v47;
	v52 =	vadd.s32 v53, v48  }
0x336: {  	vm0 =	vmor vm11, vm12;
	vm14 =	veq.s32 v5, $0x64;
	v53 =	vld.idx.msk [tilespmem:v32+s10+$0x0], $0xffff;
	v5 =	vsel vm13, v55, v52  }
0x337: {  	v6 =	vsub.f32 v50, v6;
	v54 =	vld.idx.msk [tilespmem:v39+s2+$0x0], $0xffff;
	v1 =	vsel vm0, v57, v47;
	vm15 =	vmor vm13, vm14  }
0x338: {  	v15 =	vld.idx.msk [tilespmem:v15+s15+$0x0], $0xffff;
	v29 =	vsel vm15, v57, v52  }
0x339: {  	v6 =	vmul.f32 v6, v9;
	v9 =	vld.idx.msk [tilespmem:v39+s10+$0x0], $0xffff  }
0x33a: {  	v8 =	vsub.f32 v44, v8;
	v55 =	vld.idx.msk [tilespmem:v51+s2+$0x0], $0xffff  }
0x33b: {  	v0 =	vadd.f32 v6, v0;
	v3 =	vsub.f32 v3, v7;
	v6 =	vld.idx.msk [tilespmem:v5+s2+$0x0], $0xffff  }
0x33c: {  	[tilespmem:s19+$0xFFFFFFF0] =	vst v59;
	v7 =	vmul.f32 v8, v11;
	v8 =	vsub.f32 v45, v38;
	v1 =	vld.idx.msk [tilespmem:v1+s15+$0x0], $0xffff  }
0x33d: {  	[tilespmem:s24+$0x10] =	vst v0;
	v57 =	vsub.f32 v46, v43;
	v56 =	vmul.f32 v3, v4;
	v4 =	vld.idx.msk [tilespmem:v29+s15+$0x0], $0xffff  }
0x33e: {  	v7 =	vadd.f32 v7, v23;
	v8 =	vmul.f32 v8, v12;
	v11 =	vsub.f32 v49, v54;
	v12 =	vld.idx.msk [tilespmem:v51+s10+$0x0], $0xffff  }
0x33f: {  	v3 =	vmul.f32 v57, v14;
	v0 =	vadd.f32 v56, v13;
	v5 =	vld.idx.msk [tilespmem:v5+s10+$0x0], $0xffff;
	v13 =	vsub.f32 v58, v55  }
0x340: {  	[tilespmem:s20+$0xFFFFFFF0] =	vst v7;
	v7 =	vadd.f32 v8, v10;
	v8 =	vmul.f32 v11, v15;
	v6 =	vsub.f32 v30, v6  }
0x341: {  	v59 =	vadd.f32 v3, v53;
	[tilespmem:s26+$0x10] =	vst v0;
	v1 =	vmul.f32 v13, v1  }
0x342: {  	[tilespmem:s21+$0xFFFFFFF0] =	vst v7;
	v61 =	vadd.f32 v8, v9;
	v4 =	vmul.f32 v6, v4  }
0x343: {  	[tilespmem:s22+$0xFFFFFFF0] =	vst v59;
	v62 =	vadd.f32 v1, v12  }
0x344: {  	s18 =	sadd.s32 $0x1, s18;
	[tilespmem:s23+$0xFFFFFFF0] =	vst v61;
	v63 =	vadd.f32 v4, v5  }
0x345: {  	p0 =	sne.s32 s18, s7;
	[tilespmem:s24+$0xFFFFFFF0] =	vst v62  }
.Ltmp3:
0x346: {  	[tilespmem:s26+$0xFFFFFFF0] =	vst v63;
	(pc) =	sbr.rel @p0 .LBB2_1-.Ltmp3, $4  }
0x347: {  	[hbm4b:s6+s8] =	stream.strided.scatter [tilespmem:s16], [sflag:$0x4], $0x1000, s9, s8, $0x38;
	[tilespmem:$0x48E0] =	vst v63  }
0x348: {  	v35 =	vmov v27;
	_ =	swait.ge [sflag:s17], $0x1000  }
0x349: {  	v53 =	vmov v35;
	v56 =	vmov v22;
	v7 =	vmov v18;
	[sflag:s17] =	ssyncset.done $0x0  }
0x34a: {  	v8 =	vlaneseq.u32;
	v11 =	vmovc v25;
	v55 =	vmovc v60;
	v61 =	vmov v24;
	v12 =	vmov v17;
	[sflag:s17] =	ssyncadd.s32 $0xFFFFF000  }
0x34b: {  	_ =	sfence.sel $0x180000  }
0x34c: {  	[bflag:$0x0] =	sbarrier.arrive $0xFFFF  }
0x34d: {  	p0 =	sne.s32 s1, $0x0;
	_ =	strace $0x90000047  }
0x34e: {  	s0 =	sadd.s32 @!p0 $0x100000, s0;
	[bflag:$0x2] =	sbarrier.arrive $0xFFFF  }
0x34f: {  	[sflag:s0] =	ssyncadd.tile.s32 @!p0 $0x1;
	_ =	shalt  }
.Lfunc_end2:
_tile_overlayer_lowered:
.L_overlay_start_2:
0x350: {  	(tag) =	ssettag $0x2  }
0x351: {  	s0 =	rddreg [dreg:$0x0];
	s2 =	stileid.u32  }
0x352: {  	s1 =	rddreg [dreg:$0x1];
	p0 =	sne.s32 s2, $0x0  }
0x353: {  	s3 =	rddreg [dreg:$0x2];
	[bflag:$0x3] =	sbarrier.arrive $0xFFFF;
	s2 =	simm.s32 @!p0 $0x1C04  }
0x354: {  	[timem:s3], [sflag:s2] =	dma.local @!p0 [hbm:s0], s1  }
0x355: {  	s0 =	simm.s32 @!p0 $0x4  }
0x356: {  	_ =	swait.ge @!p0 [sflag:s0], s1  }
0x357: {  	s1 =	ssub.s32 @!p0 $0x0, s1;
	[sflag:s0] =	ssyncset.done @!p0 $0x0  }
0x358: {  	[sflag:s0] =	ssyncadd.s32 @!p0 s1  }
0x359: {  	[bflag:$0x3] =	sbarrier.arrive $0xFFFF  }
0x35a: {  	_ =	shalt  }

</sc_bundles>
